<compile_context>
chip_gen: v7x
topology: tpu7x:2x2x1
jax: 0.10.2.dev20260603
libtpu: 0.0.44.dev20260713+nightly
codegen_flags: <defaults>
</compile_context>

<pallas_src>
import functools

import jax
import jax.numpy as jnp
from jax import lax
from jax.experimental import pallas as pl
from jax.experimental.pallas import tpu as pltpu
from jax.experimental.pallas import tpu_sc as plsc

N_BINS = 50
BATCH = 16384
_LANES = 16
_NW = 32
_CHUNK = BATCH // _NW
_GRAN = 128


def _sc_gather_kernel(flat_ref, labels_ref, out_ref, labv, idxv, valv, sem):
    wid = lax.axis_index("s") * 2 + lax.axis_index("c")
    base = wid * _CHUNK
    pltpu.sync_copy(labels_ref.at[pl.ds(base, _CHUNK)], labv)
    iota = lax.iota(jnp.int32, _LANES)
    for j in range(_CHUNK // _LANES):
        lab = labv[pl.ds(j * _LANES, _LANES)]
        pos = base + j * _LANES + iota
        idxv[pl.ds(j * _LANES, _LANES)] = lab * BATCH + pos
    for q in range(_CHUNK // _GRAN):
        pltpu.async_copy(
            flat_ref.at[idxv.at[pl.ds(q * _GRAN, _GRAN)]],
            valv.at[pl.ds(q * _GRAN, _GRAN)],
            sem,
        ).wait()
    pltpu.sync_copy(valv, out_ref.at[pl.ds(base, _CHUNK)])


@jax.jit
def _sc_gather(flat, labels):
    kfn = functools.partial(
        pl.kernel,
        out_type=jax.ShapeDtypeStruct((BATCH,), jnp.float32),
        mesh=plsc.VectorSubcoreMesh(core_axis_name="c", subcore_axis_name="s"),
        scratch_types=[
            pltpu.VMEM((_CHUNK,), jnp.int32),
            pltpu.VMEM((_CHUNK,), jnp.int32),
            pltpu.VMEM((_CHUNK,), jnp.float32),
            pltpu.SemaphoreType.DMA,
        ],
    )
    return kfn(_sc_gather_kernel)(flat, labels)


def _ece_kernel(smax_ref, vals_ref, lowers_ref, uppers_ref,
                ece_ref, acc_ref, conf_ref, prob_ref):
    i = pl.program_id(0)
    n = pl.num_programs(0)

    C = smax_ref.shape[0]
    n_slabs = C // 8

    def body(k, m):
        v = smax_ref[pl.ds(k * 8, 8), :]
        return jnp.maximum(v, m)

    m = jax.lax.fori_loop(1, n_slabs, body, smax_ref[pl.ds(0, 8), :],
                          unroll=31)
    conf = jnp.max(m, axis=0)

    acc = (vals_ref[0, :] == conf).astype(jnp.float32)

    lowers = lowers_ref[...]
    uppers = uppers_ref[...]
    cb = conf[None, :]
    mask = ((cb > lowers) & (cb <= uppers)).astype(jnp.float32)
    prob_part = jnp.sum(mask, axis=1)
    acc_part = jnp.sum(mask * acc[None, :], axis=1)
    conf_part = jnp.sum(mask * cb, axis=1)

    @pl.when(i == 0)
    def _init():
        acc_ref[...] = jnp.zeros_like(acc_ref)
        conf_ref[...] = jnp.zeros_like(conf_ref)
        prob_ref[...] = jnp.zeros_like(prob_ref)
        ece_ref[...] = jnp.zeros_like(ece_ref)

    acc_ref[...] += acc_part[None, :]
    conf_ref[...] += conf_part[None, :]
    prob_ref[...] += prob_part[None, :]

    @pl.when(i == n - 1)
    def _finish():
        prob_bins = prob_ref[0, :]
        acc_bins = acc_ref[0, :]
        conf_bins = conf_ref[0, :]
        valid = prob_bins > 0
        safe = jnp.where(valid, prob_bins, 1.0)
        acc_n = jnp.where(valid, acc_bins / safe, 0.0)
        conf_n = jnp.where(valid, conf_bins / safe, 0.0)
        prob_n = prob_bins / jnp.sum(prob_bins)
        ece = jnp.sum(jnp.where(valid, jnp.abs(conf_n - acc_n) * prob_n, 0.0))
        ece_ref[...] = jnp.reshape(ece, (1, 1))


def kernel(softmaxes, labels):
    C, B = softmaxes.shape
    T = 2048
    grid = B // T

    vals = _sc_gather(softmaxes.reshape(-1), labels)

    bnd = jnp.linspace(0.0, 1.0, N_BINS + 1)
    lowers = bnd[:-1].reshape(N_BINS, 1)
    uppers = bnd[1:].reshape(N_BINS, 1)
    vals2 = vals.reshape(1, B)

    ece, acc_bins, conf_bins, prob_bins = pl.pallas_call(
        _ece_kernel,
        grid=(grid,),
        in_specs=[
            pl.BlockSpec((C, T), lambda i: (0, i)),
            pl.BlockSpec((1, T), lambda i: (0, i)),
            pl.BlockSpec((N_BINS, 1), lambda i: (0, 0)),
            pl.BlockSpec((N_BINS, 1), lambda i: (0, 0)),
        ],
        out_specs=[
            pl.BlockSpec((1, 1), lambda i: (0, 0)),
            pl.BlockSpec((1, N_BINS), lambda i: (0, 0)),
            pl.BlockSpec((1, N_BINS), lambda i: (0, 0)),
            pl.BlockSpec((1, N_BINS), lambda i: (0, 0)),
        ],
        out_shape=[
            jax.ShapeDtypeStruct((1, 1), jnp.float32),
            jax.ShapeDtypeStruct((1, N_BINS), jnp.float32),
            jax.ShapeDtypeStruct((1, N_BINS), jnp.float32),
            jax.ShapeDtypeStruct((1, N_BINS), jnp.float32),
        ],
    )(softmaxes, vals2, lowers, uppers)
    return (ece[0, 0], acc_bins[0], conf_bins[0], prob_bins[0])

# --- scband reference (transcript-rebuilt; emitter-appended) ---
"""Pipeline reference for scband-eceloss-22728966930583 (READ-ONLY COPY).

The authoritative reference and input builder live on the scoring server;
editing this copy changes nothing except your own understanding.
"""

import jax, jax.numpy as jnp
import numpy as np

N_BINS = 50
N_CLASSES = 1000
BATCH = 16384


def setup_inputs(seed: int = 0) -> dict:
    key = jax.random.key(seed)
    k1, k2 = jax.random.split(key)
    logits = jax.random.normal(k1, (N_CLASSES, BATCH), dtype=jnp.float32)
    # module asserts softmax sums to 1 along the class (first) dim
    softmaxes = jax.nn.softmax(logits, axis=0)
    labels = jax.random.randint(k2, (BATCH,), 0, N_CLASSES, dtype=jnp.int32)
    return {"softmaxes": softmaxes, "labels": labels}


def reference(softmaxes, labels):
    n_bins = N_BINS
    boundaries = jnp.linspace(0.0, 1.0, n_bins + 1)
    lowers = boundaries[:-1]
    uppers = boundaries[1:]
    confidences = jnp.max(softmaxes, axis=0)
    predictions = jnp.argmax(softmaxes, axis=0)
    accuracies = (predictions == labels).astype(jnp.float32)
    # [n_bins, B] membership mask: conf > lower and conf <= upper
    mask = (confidences[None, :] > lowers[:, None]) & (confidences[None, :] <= uppers[:, None])
    maskf = mask.astype(jnp.float32)
    prob_bins = maskf.sum(axis=1)
    acc_bins = (maskf * accuracies[None, :]).sum(axis=1)
    conf_bins = (maskf * confidences[None, :]).sum(axis=1)
    valid = prob_bins > 0
    safe_prob = jnp.where(valid, prob_bins, 1.0)
    acc_norm = jnp.where(valid, acc_bins / safe_prob, 0.0)
    conf_norm = jnp.where(valid, conf_bins / safe_prob, 0.0)
    prob_norm = prob_bins / prob_bins.sum()
    ece = jnp.sum(jnp.where(valid, jnp.abs(conf_norm - acc_norm) * prob_norm, 0.0))
    return (ece, acc_bins, conf_bins, prob_bins)

if __name__ == "__main__":
    import jax
    _d = setup_inputs()
    print(jax.jit(kernel)(*tuple(_d.values())))

</pallas_src>

<mosaic_0001>
#map = affine_map<(d0, d1) -> (0)>
module attributes {stable_mosaic.version = 14 : i64} {
  func.func @_sc_gather_kernel(%arg0: i32, %arg1: i32, %arg2: memref<16384000xf32, #tpu.memory_space<hbm>>, %arg3: memref<16384xi32, #tpu.memory_space<hbm>>, %arg4: memref<16384xf32, #tpu.memory_space<hbm>>, %arg5: memref<512xi32, #tpu.memory_space<vmem>>, %arg6: memref<512xi32, #tpu.memory_space<vmem>>, %arg7: memref<512xf32, #tpu.memory_space<vmem>>, %arg8: memref<!tpu.dma_semaphore, #tpu.memory_space<semaphore_mem>>) attributes {dimension_semantics = [#tpu.dimension_semantics<core_parallel>, #tpu.dimension_semantics<subcore_parallel>], iteration_bounds = array<i64: 2, 16>, scalar_prefetch = 0 : i64, scratch_operands = 4 : i64, tpu.core_type = #tpu.core_type<sc_vector_subcore>, window_params = [{transform_indices = #map}, {transform_indices = #map}, {transform_indices = #map}]} {
    %mul3A = arith.constant 2 : i32
    %mul3A_0 = arith.muli %arg1, %mul3A : i32
    %add3A = arith.addi %mul3A_0, %arg0 : i32
    %mul3A_1 = arith.constant 512 : i32
    %mul3A_2 = arith.muli %add3A, %mul3A_1 : i32
    "tpu.region"() ({
      %run_scoped3A = tpu.sem_alloc : memref<!tpu.dma_semaphore, #tpu.memory_space<semaphore_mem>>
      %dma_start3A_527 = tpu.memref_slice %arg3[%mul3A_2] : memref<16384xi32, #tpu.memory_space<hbm>> -> memref<512xi32, #tpu.memory_space<hbm>>
      %dma_start3A_528 = tpu.memref_slice %arg3[%mul3A_2] : memref<16384xi32, #tpu.memory_space<hbm>> -> memref<512xi32, #tpu.memory_space<hbm>>
      tpu.enqueue_dma source(%dma_start3A_528 : memref<512xi32, #tpu.memory_space<hbm>>) target(%arg5 : memref<512xi32, #tpu.memory_space<vmem>>) target_semaphore(%run_scoped3A : memref<!tpu.dma_semaphore, #tpu.memory_space<semaphore_mem>>)
      %dma_wait3A_529 = tpu.memref_slice %arg3[%mul3A_2] : memref<16384xi32, #tpu.memory_space<hbm>> -> memref<512xi32, #tpu.memory_space<hbm>>
      %dma_wait3A_530 = tpu.memref_slice %arg3[%mul3A_2] : memref<16384xi32, #tpu.memory_space<hbm>> -> memref<512xi32, #tpu.memory_space<hbm>>
      tpu.wait_dma2 semaphore(%run_scoped3A : memref<!tpu.dma_semaphore, #tpu.memory_space<semaphore_mem>>) src(%dma_wait3A_530 : memref<512xi32, #tpu.memory_space<hbm>>) dst(%arg5 : memref<512xi32, #tpu.memory_space<vmem>>)
      tpu.yield
    }) : () -> ()
    %iota3A = tpu.iota {dimensions = array<i32: 0>} : vector<16xi32>
    %get3A = arith.constant 0 : index
    %get3A_3 = tpu.vector_load %arg5[%get3A] {strides = array<i32>} : memref<512xi32, #tpu.memory_space<vmem>>, vector<16xi32>,
    %get3A_4 = vector.shape_cast %get3A_3 : vector<16xi32> to vector<16xi32>
    %add3A_5 = arith.constant 0 : i32
    %add3A_6 = arith.addi %mul3A_2, %add3A_5 : i32
    %add3A_7 = vector.broadcast %add3A_6 : i32 to vector<16xi32>
    %add3A_8 = arith.addi %add3A_7, %iota3A : vector<16xi32>
    %mul3A_9 = arith.constant 16384 : i32
    %mul3A_10 = vector.broadcast %mul3A_9 : i32 to vector<16xi32>
    %mul3A_11 = arith.muli %get3A_4, %mul3A_10 : vector<16xi32>
    %add3A_12 = arith.addi %mul3A_11, %add3A_8 : vector<16xi32>
    %swap3A = arith.constant 0 : index
    %swap3A_13 = tpu.vector_load %arg6[%swap3A] {strides = array<i32>} : memref<512xi32, #tpu.memory_space<vmem>>, vector<16xi32>,
    %swap3A_14 = vector.shape_cast %swap3A_13 : vector<16xi32> to vector<16xi32>
    %swap3A_15 = vector.shape_cast %add3A_12 : vector<16xi32> to vector<16xi32>
    tpu.vector_store %arg6[%swap3A], %swap3A_15 {strides = array<i32>} : memref<512xi32, #tpu.memory_space<vmem>>, vector<16xi32>,
    %get3A_16 = arith.constant 16 : index
    %get3A_17 = tpu.vector_load %arg5[%get3A_16] {strides = array<i32>} : memref<512xi32, #tpu.memory_space<vmem>>, vector<16xi32>,
    %get3A_18 = vector.shape_cast %get3A_17 : vector<16xi32> to vector<16xi32>
    %add3A_19 = arith.constant 16 : i32
    %add3A_20 = arith.addi %mul3A_2, %add3A_19 : i32
    %add3A_21 = vector.broadcast %add3A_20 : i32 to vector<16xi32>
    %add3A_22 = arith.addi %add3A_21, %iota3A : vector<16xi32>
    %mul3A_23 = arith.constant 16384 : i32
    %mul3A_24 = vector.broadcast %mul3A_23 : i32 to vector<16xi32>
    %mul3A_25 = arith.muli %get3A_18, %mul3A_24 : vector<16xi32>
    %add3A_26 = arith.addi %mul3A_25, %add3A_22 : vector<16xi32>
    %swap3A_27 = arith.constant 16 : index
    %swap3A_28 = tpu.vector_load %arg6[%swap3A_27] {strides = array<i32>} : memref<512xi32, #tpu.memory_space<vmem>>, vector<16xi32>,
    %swap3A_29 = vector.shape_cast %swap3A_28 : vector<16xi32> to vector<16xi32>
    %swap3A_30 = vector.shape_cast %add3A_26 : vector<16xi32> to vector<16xi32>
    tpu.vector_store %arg6[%swap3A_27], %swap3A_30 {strides = array<i32>} : memref<512xi32, #tpu.memory_space<vmem>>, vector<16xi32>,
    %get3A_31 = arith.constant 32 : index
    %get3A_32 = tpu.vector_load %arg5[%get3A_31] {strides = array<i32>} : memref<512xi32, #tpu.memory_space<vmem>>, vector<16xi32>,
    %get3A_33 = vector.shape_cast %get3A_32 : vector<16xi32> to vector<16xi32>
    %add3A_34 = arith.constant 32 : i32
    %add3A_35 = arith.addi %mul3A_2, %add3A_34 : i32
    %add3A_36 = vector.broadcast %add3A_35 : i32 to vector<16xi32>
    %add3A_37 = arith.addi %add3A_36, %iota3A : vector<16xi32>
    %mul3A_38 = arith.constant 16384 : i32
    %mul3A_39 = vector.broadcast %mul3A_38 : i32 to vector<16xi32>
    %mul3A_40 = arith.muli %get3A_33, %mul3A_39 : vector<16xi32>
    %add3A_41 = arith.addi %mul3A_40, %add3A_37 : vector<16xi32>
    %swap3A_42 = arith.constant 32 : index
    %swap3A_43 = tpu.vector_load %arg6[%swap3A_42] {strides = array<i32>} : memref<512xi32, #tpu.memory_space<vmem>>, vector<16xi32>,
    %swap3A_44 = vector.shape_cast %swap3A_43 : vector<16xi32> to vector<16xi32>
    %swap3A_45 = vector.shape_cast %add3A_41 : vector<16xi32> to vector<16xi32>
    tpu.vector_store %arg6[%swap3A_42], %swap3A_45 {strides = array<i32>} : memref<512xi32, #tpu.memory_space<vmem>>, vector<16xi32>,
    %get3A_46 = arith.constant 48 : index
    %get3A_47 = tpu.vector_load %arg5[%get3A_46] {strides = array<i32>} : memref<512xi32, #tpu.memory_space<vmem>>, vector<16xi32>,
    %get3A_48 = vector.shape_cast %get3A_47 : vector<16xi32> to vector<16xi32>
    %add3A_49 = arith.constant 48 : i32
    %add3A_50 = arith.addi %mul3A_2, %add3A_49 : i32
    %add3A_51 = vector.broadcast %add3A_50 : i32 to vector<16xi32>
    %add3A_52 = arith.addi %add3A_51, %iota3A : vector<16xi32>
    %mul3A_53 = arith.constant 16384 : i32
    %mul3A_54 = vector.broadcast %mul3A_53 : i32 to vector<16xi32>
    %mul3A_55 = arith.muli %get3A_48, %mul3A_54 : vector<16xi32>
    %add3A_56 = arith.addi %mul3A_55, %add3A_52 : vector<16xi32>
    %swap3A_57 = arith.constant 48 : index
    %swap3A_58 = tpu.vector_load %arg6[%swap3A_57] {strides = array<i32>} : memref<512xi32, #tpu.memory_space<vmem>>, vector<16xi32>,
    %swap3A_59 = vector.shape_cast %swap3A_58 : vector<16xi32> to vector<16xi32>
    %swap3A_60 = vector.shape_cast %add3A_56 : vector<16xi32> to vector<16xi32>
    tpu.vector_store %arg6[%swap3A_57], %swap3A_60 {strides = array<i32>} : memref<512xi32, #tpu.memory_space<vmem>>, vector<16xi32>,
    %get3A_61 = arith.constant 64 : index
    %get3A_62 = tpu.vector_load %arg5[%get3A_61] {strides = array<i32>} : memref<512xi32, #tpu.memory_space<vmem>>, vector<16xi32>,
    %get3A_63 = vector.shape_cast %get3A_62 : vector<16xi32> to vector<16xi32>
    %add3A_64 = arith.constant 64 : i32
    %add3A_65 = arith.addi %mul3A_2, %add3A_64 : i32
    %add3A_66 = vector.broadcast %add3A_65 : i32 to vector<16xi32>
    %add3A_67 = arith.addi %add3A_66, %iota3A : vector<16xi32>
    %mul3A_68 = arith.constant 16384 : i32
    %mul3A_69 = vector.broadcast %mul3A_68 : i32 to vector<16xi32>
    %mul3A_70 = arith.muli %get3A_63, %mul3A_69 : vector<16xi32>
    %add3A_71 = arith.addi %mul3A_70, %add3A_67 : vector<16xi32>
    %swap3A_72 = arith.constant 64 : index
    %swap3A_73 = tpu.vector_load %arg6[%swap3A_72] {strides = array<i32>} : memref<512xi32, #tpu.memory_space<vmem>>, vector<16xi32>,
    %swap3A_74 = vector.shape_cast %swap3A_73 : vector<16xi32> to vector<16xi32>
    %swap3A_75 = vector.shape_cast %add3A_71 : vector<16xi32> to vector<16xi32>
    tpu.vector_store %arg6[%swap3A_72], %swap3A_75 {strides = array<i32>} : memref<512xi32, #tpu.memory_space<vmem>>, vector<16xi32>,
    %get3A_76 = arith.constant 80 : index
    %get3A_77 = tpu.vector_load %arg5[%get3A_76] {strides = array<i32>} : memref<512xi32, #tpu.memory_space<vmem>>, vector<16xi32>,
    %get3A_78 = vector.shape_cast %get3A_77 : vector<16xi32> to vector<16xi32>
    %add3A_79 = arith.constant 80 : i32
    %add3A_80 = arith.addi %mul3A_2, %add3A_79 : i32
    %add3A_81 = vector.broadcast %add3A_80 : i32 to vector<16xi32>
    %add3A_82 = arith.addi %add3A_81, %iota3A : vector<16xi32>
    %mul3A_83 = arith.constant 16384 : i32
    %mul3A_84 = vector.broadcast %mul3A_83 : i32 to vector<16xi32>
    %mul3A_85 = arith.muli %get3A_78, %mul3A_84 : vector<16xi32>
    %add3A_86 = arith.addi %mul3A_85, %add3A_82 : vector<16xi32>
    %swap3A_87 = arith.constant 80 : index
    %swap3A_88 = tpu.vector_load %arg6[%swap3A_87] {strides = array<i32>} : memref<512xi32, #tpu.memory_space<vmem>>, vector<16xi32>,
    %swap3A_89 = vector.shape_cast %swap3A_88 : vector<16xi32> to vector<16xi32>
    %swap3A_90 = vector.shape_cast %add3A_86 : vector<16xi32> to vector<16xi32>
    tpu.vector_store %arg6[%swap3A_87], %swap3A_90 {strides = array<i32>} : memref<512xi32, #tpu.memory_space<vmem>>, vector<16xi32>,
    %get3A_91 = arith.constant 96 : index
    %get3A_92 = tpu.vector_load %arg5[%get3A_91] {strides = array<i32>} : memref<512xi32, #tpu.memory_space<vmem>>, vector<16xi32>,
    %get3A_93 = vector.shape_cast %get3A_92 : vector<16xi32> to vector<16xi32>
    %add3A_94 = arith.constant 96 : i32
    %add3A_95 = arith.addi %mul3A_2, %add3A_94 : i32
    %add3A_96 = vector.broadcast %add3A_95 : i32 to vector<16xi32>
    %add3A_97 = arith.addi %add3A_96, %iota3A : vector<16xi32>
    %mul3A_98 = arith.constant 16384 : i32
    %mul3A_99 = vector.broadcast %mul3A_98 : i32 to vector<16xi32>
    %mul3A_100 = arith.muli %get3A_93, %mul3A_99 : vector<16xi32>
    %add3A_101 = arith.addi %mul3A_100, %add3A_97 : vector<16xi32>
    %swap3A_102 = arith.constant 96 : index
    %swap3A_103 = tpu.vector_load %arg6[%swap3A_102] {strides = array<i32>} : memref<512xi32, #tpu.memory_space<vmem>>, vector<16xi32>,
    %swap3A_104 = vector.shape_cast %swap3A_103 : vector<16xi32> to vector<16xi32>
    %swap3A_105 = vector.shape_cast %add3A_101 : vector<16xi32> to vector<16xi32>
    tpu.vector_store %arg6[%swap3A_102], %swap3A_105 {strides = array<i32>} : memref<512xi32, #tpu.memory_space<vmem>>, vector<16xi32>,
    %get3A_106 = arith.constant 112 : index
    %get3A_107 = tpu.vector_load %arg5[%get3A_106] {strides = array<i32>} : memref<512xi32, #tpu.memory_space<vmem>>, vector<16xi32>,
    %get3A_108 = vector.shape_cast %get3A_107 : vector<16xi32> to vector<16xi32>
    %add3A_109 = arith.constant 112 : i32
    %add3A_110 = arith.addi %mul3A_2, %add3A_109 : i32
    %add3A_111 = vector.broadcast %add3A_110 : i32 to vector<16xi32>
    %add3A_112 = arith.addi %add3A_111, %iota3A : vector<16xi32>
    %mul3A_113 = arith.constant 16384 : i32
    %mul3A_114 = vector.broadcast %mul3A_113 : i32 to vector<16xi32>
    %mul3A_115 = arith.muli %get3A_108, %mul3A_114 : vector<16xi32>
    %add3A_116 = arith.addi %mul3A_115, %add3A_112 : vector<16xi32>
    %swap3A_117 = arith.constant 112 : index
    %swap3A_118 = tpu.vector_load %arg6[%swap3A_117] {strides = array<i32>} : memref<512xi32, #tpu.memory_space<vmem>>, vector<16xi32>,
    %swap3A_119 = vector.shape_cast %swap3A_118 : vector<16xi32> to vector<16xi32>
    %swap3A_120 = vector.shape_cast %add3A_116 : vector<16xi32> to vector<16xi32>
    tpu.vector_store %arg6[%swap3A_117], %swap3A_120 {strides = array<i32>} : memref<512xi32, #tpu.memory_space<vmem>>, vector<16xi32>,
    %get3A_121 = arith.constant 128 : index
    %get3A_122 = tpu.vector_load %arg5[%get3A_121] {strides = array<i32>} : memref<512xi32, #tpu.memory_space<vmem>>, vector<16xi32>,
    %get3A_123 = vector.shape_cast %get3A_122 : vector<16xi32> to vector<16xi32>
    %add3A_124 = arith.constant 128 : i32
    %add3A_125 = arith.addi %mul3A_2, %add3A_124 : i32
    %add3A_126 = vector.broadcast %add3A_125 : i32 to vector<16xi32>
    %add3A_127 = arith.addi %add3A_126, %iota3A : vector<16xi32>
    %mul3A_128 = arith.constant 16384 : i32
    %mul3A_129 = vector.broadcast %mul3A_128 : i32 to vector<16xi32>
    %mul3A_130 = arith.muli %get3A_123, %mul3A_129 : vector<16xi32>
    %add3A_131 = arith.addi %mul3A_130, %add3A_127 : vector<16xi32>
    %swap3A_132 = arith.constant 128 : index
    %swap3A_133 = tpu.vector_load %arg6[%swap3A_132] {strides = array<i32>} : memref<512xi32, #tpu.memory_space<vmem>>, vector<16xi32>,
    %swap3A_134 = vector.shape_cast %swap3A_133 : vector<16xi32> to vector<16xi32>
    %swap3A_135 = vector.shape_cast %add3A_131 : vector<16xi32> to vector<16xi32>
    tpu.vector_store %arg6[%swap3A_132], %swap3A_135 {strides = array<i32>} : memref<512xi32, #tpu.memory_space<vmem>>, vector<16xi32>,
    %get3A_136 = arith.constant 144 : index
    %get3A_137 = tpu.vector_load %arg5[%get3A_136] {strides = array<i32>} : memref<512xi32, #tpu.memory_space<vmem>>, vector<16xi32>,
    %get3A_138 = vector.shape_cast %get3A_137 : vector<16xi32> to vector<16xi32>
    %add3A_139 = arith.constant 144 : i32
    %add3A_140 = arith.addi %mul3A_2, %add3A_139 : i32
    %add3A_141 = vector.broadcast %add3A_140 : i32 to vector<16xi32>
    %add3A_142 = arith.addi %add3A_141, %iota3A : vector<16xi32>
    %mul3A_143 = arith.constant 16384 : i32
    %mul3A_144 = vector.broadcast %mul3A_143 : i32 to vector<16xi32>
    %mul3A_145 = arith.muli %get3A_138, %mul3A_144 : vector<16xi32>
    %add3A_146 = arith.addi %mul3A_145, %add3A_142 : vector<16xi32>
    %swap3A_147 = arith.constant 144 : index
    %swap3A_148 = tpu.vector_load %arg6[%swap3A_147] {strides = array<i32>} : memref<512xi32, #tpu.memory_space<vmem>>, vector<16xi32>,
    %swap3A_149 = vector.shape_cast %swap3A_148 : vector<16xi32> to vector<16xi32>
    %swap3A_150 = vector.shape_cast %add3A_146 : vector<16xi32> to vector<16xi32>
    tpu.vector_store %arg6[%swap3A_147], %swap3A_150 {strides = array<i32>} : memref<512xi32, #tpu.memory_space<vmem>>, vector<16xi32>,
    %get3A_151 = arith.constant 160 : index
    %get3A_152 = tpu.vector_load %arg5[%get3A_151] {strides = array<i32>} : memref<512xi32, #tpu.memory_space<vmem>>, vector<16xi32>,
    %get3A_153 = vector.shape_cast %get3A_152 : vector<16xi32> to vector<16xi32>
    %add3A_154 = arith.constant 160 : i32
    %add3A_155 = arith.addi %mul3A_2, %add3A_154 : i32
    %add3A_156 = vector.broadcast %add3A_155 : i32 to vector<16xi32>
    %add3A_157 = arith.addi %add3A_156, %iota3A : vector<16xi32>
    %mul3A_158 = arith.constant 16384 : i32
    %mul3A_159 = vector.broadcast %mul3A_158 : i32 to vector<16xi32>
    %mul3A_160 = arith.muli %get3A_153, %mul3A_159 : vector<16xi32>
    %add3A_161 = arith.addi %mul3A_160, %add3A_157 : vector<16xi32>
    %swap3A_162 = arith.constant 160 : index
    %swap3A_163 = tpu.vector_load %arg6[%swap3A_162] {strides = array<i32>} : memref<512xi32, #tpu.memory_space<vmem>>, vector<16xi32>,
    %swap3A_164 = vector.shape_cast %swap3A_163 : vector<16xi32> to vector<16xi32>
    %swap3A_165 = vector.shape_cast %add3A_161 : vector<16xi32> to vector<16xi32>
    tpu.vector_store %arg6[%swap3A_162], %swap3A_165 {strides = array<i32>} : memref<512xi32, #tpu.memory_space<vmem>>, vector<16xi32>,
    %get3A_166 = arith.constant 176 : index
    %get3A_167 = tpu.vector_load %arg5[%get3A_166] {strides = array<i32>} : memref<512xi32, #tpu.memory_space<vmem>>, vector<16xi32>,
    %get3A_168 = vector.shape_cast %get3A_167 : vector<16xi32> to vector<16xi32>
    %add3A_169 = arith.constant 176 : i32
    %add3A_170 = arith.addi %mul3A_2, %add3A_169 : i32
    %add3A_171 = vector.broadcast %add3A_170 : i32 to vector<16xi32>
    %add3A_172 = arith.addi %add3A_171, %iota3A : vector<16xi32>
    %mul3A_173 = arith.constant 16384 : i32
    %mul3A_174 = vector.broadcast %mul3A_173 : i32 to vector<16xi32>
    %mul3A_175 = arith.muli %get3A_168, %mul3A_174 : vector<16xi32>
    %add3A_176 = arith.addi %mul3A_175, %add3A_172 : vector<16xi32>
    %swap3A_177 = arith.constant 176 : index
    %swap3A_178 = tpu.vector_load %arg6[%swap3A_177] {strides = array<i32>} : memref<512xi32, #tpu.memory_space<vmem>>, vector<16xi32>,
    %swap3A_179 = vector.shape_cast %swap3A_178 : vector<16xi32> to vector<16xi32>
    %swap3A_180 = vector.shape_cast %add3A_176 : vector<16xi32> to vector<16xi32>
    tpu.vector_store %arg6[%swap3A_177], %swap3A_180 {strides = array<i32>} : memref<512xi32, #tpu.memory_space<vmem>>, vector<16xi32>,
    %get3A_181 = arith.constant 192 : index
    %get3A_182 = tpu.vector_load %arg5[%get3A_181] {strides = array<i32>} : memref<512xi32, #tpu.memory_space<vmem>>, vector<16xi32>,
    %get3A_183 = vector.shape_cast %get3A_182 : vector<16xi32> to vector<16xi32>
    %add3A_184 = arith.constant 192 : i32
    %add3A_185 = arith.addi %mul3A_2, %add3A_184 : i32
    %add3A_186 = vector.broadcast %add3A_185 : i32 to vector<16xi32>
    %add3A_187 = arith.addi %add3A_186, %iota3A : vector<16xi32>
    %mul3A_188 = arith.constant 16384 : i32
    %mul3A_189 = vector.broadcast %mul3A_188 : i32 to vector<16xi32>
    %mul3A_190 = arith.muli %get3A_183, %mul3A_189 : vector<16xi32>
    %add3A_191 = arith.addi %mul3A_190, %add3A_187 : vector<16xi32>
    %swap3A_192 = arith.constant 192 : index
    %swap3A_193 = tpu.vector_load %arg6[%swap3A_192] {strides = array<i32>} : memref<512xi32, #tpu.memory_space<vmem>>, vector<16xi32>,
    %swap3A_194 = vector.shape_cast %swap3A_193 : vector<16xi32> to vector<16xi32>
    %swap3A_195 = vector.shape_cast %add3A_191 : vector<16xi32> to vector<16xi32>
    tpu.vector_store %arg6[%swap3A_192], %swap3A_195 {strides = array<i32>} : memref<512xi32, #tpu.memory_space<vmem>>, vector<16xi32>,
    %get3A_196 = arith.constant 208 : index
    %get3A_197 = tpu.vector_load %arg5[%get3A_196] {strides = array<i32>} : memref<512xi32, #tpu.memory_space<vmem>>, vector<16xi32>,
    %get3A_198 = vector.shape_cast %get3A_197 : vector<16xi32> to vector<16xi32>
    %add3A_199 = arith.constant 208 : i32
    %add3A_200 = arith.addi %mul3A_2, %add3A_199 : i32
    %add3A_201 = vector.broadcast %add3A_200 : i32 to vector<16xi32>
    %add3A_202 = arith.addi %add3A_201, %iota3A : vector<16xi32>
    %mul3A_203 = arith.constant 16384 : i32
    %mul3A_204 = vector.broadcast %mul3A_203 : i32 to vector<16xi32>
    %mul3A_205 = arith.muli %get3A_198, %mul3A_204 : vector<16xi32>
    %add3A_206 = arith.addi %mul3A_205, %add3A_202 : vector<16xi32>
    %swap3A_207 = arith.constant 208 : index
    %swap3A_208 = tpu.vector_load %arg6[%swap3A_207] {strides = array<i32>} : memref<512xi32, #tpu.memory_space<vmem>>, vector<16xi32>,
    %swap3A_209 = vector.shape_cast %swap3A_208 : vector<16xi32> to vector<16xi32>
    %swap3A_210 = vector.shape_cast %add3A_206 : vector<16xi32> to vector<16xi32>
    tpu.vector_store %arg6[%swap3A_207], %swap3A_210 {strides = array<i32>} : memref<512xi32, #tpu.memory_space<vmem>>, vector<16xi32>,
    %get3A_211 = arith.constant 224 : index
    %get3A_212 = tpu.vector_load %arg5[%get3A_211] {strides = array<i32>} : memref<512xi32, #tpu.memory_space<vmem>>, vector<16xi32>,
    %get3A_213 = vector.shape_cast %get3A_212 : vector<16xi32> to vector<16xi32>
    %add3A_214 = arith.constant 224 : i32
    %add3A_215 = arith.addi %mul3A_2, %add3A_214 : i32
    %add3A_216 = vector.broadcast %add3A_215 : i32 to vector<16xi32>
    %add3A_217 = arith.addi %add3A_216, %iota3A : vector<16xi32>
    %mul3A_218 = arith.constant 16384 : i32
    %mul3A_219 = vector.broadcast %mul3A_218 : i32 to vector<16xi32>
    %mul3A_220 = arith.muli %get3A_213, %mul3A_219 : vector<16xi32>
    %add3A_221 = arith.addi %mul3A_220, %add3A_217 : vector<16xi32>
    %swap3A_222 = arith.constant 224 : index
    %swap3A_223 = tpu.vector_load %arg6[%swap3A_222] {strides = array<i32>} : memref<512xi32, #tpu.memory_space<vmem>>, vector<16xi32>,
    %swap3A_224 = vector.shape_cast %swap3A_223 : vector<16xi32> to vector<16xi32>
    %swap3A_225 = vector.shape_cast %add3A_221 : vector<16xi32> to vector<16xi32>
    tpu.vector_store %arg6[%swap3A_222], %swap3A_225 {strides = array<i32>} : memref<512xi32, #tpu.memory_space<vmem>>, vector<16xi32>,
    %get3A_226 = arith.constant 240 : index
    %get3A_227 = tpu.vector_load %arg5[%get3A_226] {strides = array<i32>} : memref<512xi32, #tpu.memory_space<vmem>>, vector<16xi32>,
    %get3A_228 = vector.shape_cast %get3A_227 : vector<16xi32> to vector<16xi32>
    %add3A_229 = arith.constant 240 : i32
    %add3A_230 = arith.addi %mul3A_2, %add3A_229 : i32
    %add3A_231 = vector.broadcast %add3A_230 : i32 to vector<16xi32>
    %add3A_232 = arith.addi %add3A_231, %iota3A : vector<16xi32>
    %mul3A_233 = arith.constant 16384 : i32
    %mul3A_234 = vector.broadcast %mul3A_233 : i32 to vector<16xi32>
    %mul3A_235 = arith.muli %get3A_228, %mul3A_234 : vector<16xi32>
    %add3A_236 = arith.addi %mul3A_235, %add3A_232 : vector<16xi32>
    %swap3A_237 = arith.constant 240 : index
    %swap3A_238 = tpu.vector_load %arg6[%swap3A_237] {strides = array<i32>} : memref<512xi32, #tpu.memory_space<vmem>>, vector<16xi32>,
    %swap3A_239 = vector.shape_cast %swap3A_238 : vector<16xi32> to vector<16xi32>
    %swap3A_240 = vector.shape_cast %add3A_236 : vector<16xi32> to vector<16xi32>
    tpu.vector_store %arg6[%swap3A_237], %swap3A_240 {strides = array<i32>} : memref<512xi32, #tpu.memory_space<vmem>>, vector<16xi32>,
    %get3A_241 = arith.constant 256 : index
    %get3A_242 = tpu.vector_load %arg5[%get3A_241] {strides = array<i32>} : memref<512xi32, #tpu.memory_space<vmem>>, vector<16xi32>,
    %get3A_243 = vector.shape_cast %get3A_242 : vector<16xi32> to vector<16xi32>
    %add3A_244 = arith.constant 256 : i32
    %add3A_245 = arith.addi %mul3A_2, %add3A_244 : i32
    %add3A_246 = vector.broadcast %add3A_245 : i32 to vector<16xi32>
    %add3A_247 = arith.addi %add3A_246, %iota3A : vector<16xi32>
    %mul3A_248 = arith.constant 16384 : i32
    %mul3A_249 = vector.broadcast %mul3A_248 : i32 to vector<16xi32>
    %mul3A_250 = arith.muli %get3A_243, %mul3A_249 : vector<16xi32>
    %add3A_251 = arith.addi %mul3A_250, %add3A_247 : vector<16xi32>
    %swap3A_252 = arith.constant 256 : index
    %swap3A_253 = tpu.vector_load %arg6[%swap3A_252] {strides = array<i32>} : memref<512xi32, #tpu.memory_space<vmem>>, vector<16xi32>,
    %swap3A_254 = vector.shape_cast %swap3A_253 : vector<16xi32> to vector<16xi32>
    %swap3A_255 = vector.shape_cast %add3A_251 : vector<16xi32> to vector<16xi32>
    tpu.vector_store %arg6[%swap3A_252], %swap3A_255 {strides = array<i32>} : memref<512xi32, #tpu.memory_space<vmem>>, vector<16xi32>,
    %get3A_256 = arith.constant 272 : index
    %get3A_257 = tpu.vector_load %arg5[%get3A_256] {strides = array<i32>} : memref<512xi32, #tpu.memory_space<vmem>>, vector<16xi32>,
    %get3A_258 = vector.shape_cast %get3A_257 : vector<16xi32> to vector<16xi32>
    %add3A_259 = arith.constant 272 : i32
    %add3A_260 = arith.addi %mul3A_2, %add3A_259 : i32
    %add3A_261 = vector.broadcast %add3A_260 : i32 to vector<16xi32>
    %add3A_262 = arith.addi %add3A_261, %iota3A : vector<16xi32>
    %mul3A_263 = arith.constant 16384 : i32
    %mul3A_264 = vector.broadcast %mul3A_263 : i32 to vector<16xi32>
    %mul3A_265 = arith.muli %get3A_258, %mul3A_264 : vector<16xi32>
    %add3A_266 = arith.addi %mul3A_265, %add3A_262 : vector<16xi32>
    %swap3A_267 = arith.constant 272 : index
    %swap3A_268 = tpu.vector_load %arg6[%swap3A_267] {strides = array<i32>} : memref<512xi32, #tpu.memory_space<vmem>>, vector<16xi32>,
    %swap3A_269 = vector.shape_cast %swap3A_268 : vector<16xi32> to vector<16xi32>
    %swap3A_270 = vector.shape_cast %add3A_266 : vector<16xi32> to vector<16xi32>
    tpu.vector_store %arg6[%swap3A_267], %swap3A_270 {strides = array<i32>} : memref<512xi32, #tpu.memory_space<vmem>>, vector<16xi32>,
    %get3A_271 = arith.constant 288 : index
    %get3A_272 = tpu.vector_load %arg5[%get3A_271] {strides = array<i32>} : memref<512xi32, #tpu.memory_space<vmem>>, vector<16xi32>,
    %get3A_273 = vector.shape_cast %get3A_272 : vector<16xi32> to vector<16xi32>
    %add3A_274 = arith.constant 288 : i32
    %add3A_275 = arith.addi %mul3A_2, %add3A_274 : i32
    %add3A_276 = vector.broadcast %add3A_275 : i32 to vector<16xi32>
    %add3A_277 = arith.addi %add3A_276, %iota3A : vector<16xi32>
    %mul3A_278 = arith.constant 16384 : i32
    %mul3A_279 = vector.broadcast %mul3A_278 : i32 to vector<16xi32>
    %mul3A_280 = arith.muli %get3A_273, %mul3A_279 : vector<16xi32>
    %add3A_281 = arith.addi %mul3A_280, %add3A_277 : vector<16xi32>
    %swap3A_282 = arith.constant 288 : index
    %swap3A_283 = tpu.vector_load %arg6[%swap3A_282] {strides = array<i32>} : memref<512xi32, #tpu.memory_space<vmem>>, vector<16xi32>,
    %swap3A_284 = vector.shape_cast %swap3A_283 : vector<16xi32> to vector<16xi32>
    %swap3A_285 = vector.shape_cast %add3A_281 : vector<16xi32> to vector<16xi32>
    tpu.vector_store %arg6[%swap3A_282], %swap3A_285 {strides = array<i32>} : memref<512xi32, #tpu.memory_space<vmem>>, vector<16xi32>,
    %get3A_286 = arith.constant 304 : index
    %get3A_287 = tpu.vector_load %arg5[%get3A_286] {strides = array<i32>} : memref<512xi32, #tpu.memory_space<vmem>>, vector<16xi32>,
    %get3A_288 = vector.shape_cast %get3A_287 : vector<16xi32> to vector<16xi32>
    %add3A_289 = arith.constant 304 : i32
    %add3A_290 = arith.addi %mul3A_2, %add3A_289 : i32
    %add3A_291 = vector.broadcast %add3A_290 : i32 to vector<16xi32>
    %add3A_292 = arith.addi %add3A_291, %iota3A : vector<16xi32>
    %mul3A_293 = arith.constant 16384 : i32
    %mul3A_294 = vector.broadcast %mul3A_293 : i32 to vector<16xi32>
    %mul3A_295 = arith.muli %get3A_288, %mul3A_294 : vector<16xi32>
    %add3A_296 = arith.addi %mul3A_295, %add3A_292 : vector<16xi32>
    %swap3A_297 = arith.constant 304 : index
    %swap3A_298 = tpu.vector_load %arg6[%swap3A_297] {strides = array<i32>} : memref<512xi32, #tpu.memory_space<vmem>>, vector<16xi32>,
    %swap3A_299 = vector.shape_cast %swap3A_298 : vector<16xi32> to vector<16xi32>
    %swap3A_300 = vector.shape_cast %add3A_296 : vector<16xi32> to vector<16xi32>
    tpu.vector_store %arg6[%swap3A_297], %swap3A_300 {strides = array<i32>} : memref<512xi32, #tpu.memory_space<vmem>>, vector<16xi32>,
    %get3A_301 = arith.constant 320 : index
    %get3A_302 = tpu.vector_load %arg5[%get3A_301] {strides = array<i32>} : memref<512xi32, #tpu.memory_space<vmem>>, vector<16xi32>,
    %get3A_303 = vector.shape_cast %get3A_302 : vector<16xi32> to vector<16xi32>
    %add3A_304 = arith.constant 320 : i32
    %add3A_305 = arith.addi %mul3A_2, %add3A_304 : i32
    %add3A_306 = vector.broadcast %add3A_305 : i32 to vector<16xi32>
    %add3A_307 = arith.addi %add3A_306, %iota3A : vector<16xi32>
    %mul3A_308 = arith.constant 16384 : i32
    %mul3A_309 = vector.broadcast %mul3A_308 : i32 to vector<16xi32>
    %mul3A_310 = arith.muli %get3A_303, %mul3A_309 : vector<16xi32>
    %add3A_311 = arith.addi %mul3A_310, %add3A_307 : vector<16xi32>
    %swap3A_312 = arith.constant 320 : index
    %swap3A_313 = tpu.vector_load %arg6[%swap3A_312] {strides = array<i32>} : memref<512xi32, #tpu.memory_space<vmem>>, vector<16xi32>,
    %swap3A_314 = vector.shape_cast %swap3A_313 : vector<16xi32> to vector<16xi32>
    %swap3A_315 = vector.shape_cast %add3A_311 : vector<16xi32> to vector<16xi32>
    tpu.vector_store %arg6[%swap3A_312], %swap3A_315 {strides = array<i32>} : memref<512xi32, #tpu.memory_space<vmem>>, vector<16xi32>,
    %get3A_316 = arith.constant 336 : index
    %get3A_317 = tpu.vector_load %arg5[%get3A_316] {strides = array<i32>} : memref<512xi32, #tpu.memory_space<vmem>>, vector<16xi32>,
    %get3A_318 = vector.shape_cast %get3A_317 : vector<16xi32> to vector<16xi32>
    %add3A_319 = arith.constant 336 : i32
    %add3A_320 = arith.addi %mul3A_2, %add3A_319 : i32
    %add3A_321 = vector.broadcast %add3A_320 : i32 to vector<16xi32>
    %add3A_322 = arith.addi %add3A_321, %iota3A : vector<16xi32>
    %mul3A_323 = arith.constant 16384 : i32
    %mul3A_324 = vector.broadcast %mul3A_323 : i32 to vector<16xi32>
    %mul3A_325 = arith.muli %get3A_318, %mul3A_324 : vector<16xi32>
    %add3A_326 = arith.addi %mul3A_325, %add3A_322 : vector<16xi32>
    %swap3A_327 = arith.constant 336 : index
    %swap3A_328 = tpu.vector_load %arg6[%swap3A_327] {strides = array<i32>} : memref<512xi32, #tpu.memory_space<vmem>>, vector<16xi32>,
    %swap3A_329 = vector.shape_cast %swap3A_328 : vector<16xi32> to vector<16xi32>
    %swap3A_330 = vector.shape_cast %add3A_326 : vector<16xi32> to vector<16xi32>
    tpu.vector_store %arg6[%swap3A_327], %swap3A_330 {strides = array<i32>} : memref<512xi32, #tpu.memory_space<vmem>>, vector<16xi32>,
    %get3A_331 = arith.constant 352 : index
    %get3A_332 = tpu.vector_load %arg5[%get3A_331] {strides = array<i32>} : memref<512xi32, #tpu.memory_space<vmem>>, vector<16xi32>,
    %get3A_333 = vector.shape_cast %get3A_332 : vector<16xi32> to vector<16xi32>
    %add3A_334 = arith.constant 352 : i32
    %add3A_335 = arith.addi %mul3A_2, %add3A_334 : i32
    %add3A_336 = vector.broadcast %add3A_335 : i32 to vector<16xi32>
    %add3A_337 = arith.addi %add3A_336, %iota3A : vector<16xi32>
    %mul3A_338 = arith.constant 16384 : i32
    %mul3A_339 = vector.broadcast %mul3A_338 : i32 to vector<16xi32>
    %mul3A_340 = arith.muli %get3A_333, %mul3A_339 : vector<16xi32>
    %add3A_341 = arith.addi %mul3A_340, %add3A_337 : vector<16xi32>
    %swap3A_342 = arith.constant 352 : index
    %swap3A_343 = tpu.vector_load %arg6[%swap3A_342] {strides = array<i32>} : memref<512xi32, #tpu.memory_space<vmem>>, vector<16xi32>,
    %swap3A_344 = vector.shape_cast %swap3A_343 : vector<16xi32> to vector<16xi32>
    %swap3A_345 = vector.shape_cast %add3A_341 : vector<16xi32> to vector<16xi32>
    tpu.vector_store %arg6[%swap3A_342], %swap3A_345 {strides = array<i32>} : memref<512xi32, #tpu.memory_space<vmem>>, vector<16xi32>,
    %get3A_346 = arith.constant 368 : index
    %get3A_347 = tpu.vector_load %arg5[%get3A_346] {strides = array<i32>} : memref<512xi32, #tpu.memory_space<vmem>>, vector<16xi32>,
    %get3A_348 = vector.shape_cast %get3A_347 : vector<16xi32> to vector<16xi32>
    %add3A_349 = arith.constant 368 : i32
    %add3A_350 = arith.addi %mul3A_2, %add3A_349 : i32
    %add3A_351 = vector.broadcast %add3A_350 : i32 to vector<16xi32>
    %add3A_352 = arith.addi %add3A_351, %iota3A : vector<16xi32>
    %mul3A_353 = arith.constant 16384 : i32
    %mul3A_354 = vector.broadcast %mul3A_353 : i32 to vector<16xi32>
    %mul3A_355 = arith.muli %get3A_348, %mul3A_354 : vector<16xi32>
    %add3A_356 = arith.addi %mul3A_355, %add3A_352 : vector<16xi32>
    %swap3A_357 = arith.constant 368 : index
    %swap3A_358 = tpu.vector_load %arg6[%swap3A_357] {strides = array<i32>} : memref<512xi32, #tpu.memory_space<vmem>>, vector<16xi32>,
    %swap3A_359 = vector.shape_cast %swap3A_358 : vector<16xi32> to vector<16xi32>
    %swap3A_360 = vector.shape_cast %add3A_356 : vector<16xi32> to vector<16xi32>
    tpu.vector_store %arg6[%swap3A_357], %swap3A_360 {strides = array<i32>} : memref<512xi32, #tpu.memory_space<vmem>>, vector<16xi32>,
    %get3A_361 = arith.constant 384 : index
    %get3A_362 = tpu.vector_load %arg5[%get3A_361] {strides = array<i32>} : memref<512xi32, #tpu.memory_space<vmem>>, vector<16xi32>,
    %get3A_363 = vector.shape_cast %get3A_362 : vector<16xi32> to vector<16xi32>
    %add3A_364 = arith.constant 384 : i32
    %add3A_365 = arith.addi %mul3A_2, %add3A_364 : i32
    %add3A_366 = vector.broadcast %add3A_365 : i32 to vector<16xi32>
    %add3A_367 = arith.addi %add3A_366, %iota3A : vector<16xi32>
    %mul3A_368 = arith.constant 16384 : i32
    %mul3A_369 = vector.broadcast %mul3A_368 : i32 to vector<16xi32>
    %mul3A_370 = arith.muli %get3A_363, %mul3A_369 : vector<16xi32>
    %add3A_371 = arith.addi %mul3A_370, %add3A_367 : vector<16xi32>
    %swap3A_372 = arith.constant 384 : index
    %swap3A_373 = tpu.vector_load %arg6[%swap3A_372] {strides = array<i32>} : memref<512xi32, #tpu.memory_space<vmem>>, vector<16xi32>,
    %swap3A_374 = vector.shape_cast %swap3A_373 : vector<16xi32> to vector<16xi32>
    %swap3A_375 = vector.shape_cast %add3A_371 : vector<16xi32> to vector<16xi32>
    tpu.vector_store %arg6[%swap3A_372], %swap3A_375 {strides = array<i32>} : memref<512xi32, #tpu.memory_space<vmem>>, vector<16xi32>,
    %get3A_376 = arith.constant 400 : index
    %get3A_377 = tpu.vector_load %arg5[%get3A_376] {strides = array<i32>} : memref<512xi32, #tpu.memory_space<vmem>>, vector<16xi32>,
    %get3A_378 = vector.shape_cast %get3A_377 : vector<16xi32> to vector<16xi32>
    %add3A_379 = arith.constant 400 : i32
    %add3A_380 = arith.addi %mul3A_2, %add3A_379 : i32
    %add3A_381 = vector.broadcast %add3A_380 : i32 to vector<16xi32>
    %add3A_382 = arith.addi %add3A_381, %iota3A : vector<16xi32>
    %mul3A_383 = arith.constant 16384 : i32
    %mul3A_384 = vector.broadcast %mul3A_383 : i32 to vector<16xi32>
    %mul3A_385 = arith.muli %get3A_378, %mul3A_384 : vector<16xi32>
    %add3A_386 = arith.addi %mul3A_385, %add3A_382 : vector<16xi32>
    %swap3A_387 = arith.constant 400 : index
    %swap3A_388 = tpu.vector_load %arg6[%swap3A_387] {strides = array<i32>} : memref<512xi32, #tpu.memory_space<vmem>>, vector<16xi32>,
    %swap3A_389 = vector.shape_cast %swap3A_388 : vector<16xi32> to vector<16xi32>
    %swap3A_390 = vector.shape_cast %add3A_386 : vector<16xi32> to vector<16xi32>
    tpu.vector_store %arg6[%swap3A_387], %swap3A_390 {strides = array<i32>} : memref<512xi32, #tpu.memory_space<vmem>>, vector<16xi32>,
    %get3A_391 = arith.constant 416 : index
    %get3A_392 = tpu.vector_load %arg5[%get3A_391] {strides = array<i32>} : memref<512xi32, #tpu.memory_space<vmem>>, vector<16xi32>,
    %get3A_393 = vector.shape_cast %get3A_392 : vector<16xi32> to vector<16xi32>
    %add3A_394 = arith.constant 416 : i32
    %add3A_395 = arith.addi %mul3A_2, %add3A_394 : i32
    %add3A_396 = vector.broadcast %add3A_395 : i32 to vector<16xi32>
    %add3A_397 = arith.addi %add3A_396, %iota3A : vector<16xi32>
    %mul3A_398 = arith.constant 16384 : i32
    %mul3A_399 = vector.broadcast %mul3A_398 : i32 to vector<16xi32>
    %mul3A_400 = arith.muli %get3A_393, %mul3A_399 : vector<16xi32>
    %add3A_401 = arith.addi %mul3A_400, %add3A_397 : vector<16xi32>
    %swap3A_402 = arith.constant 416 : index
    %swap3A_403 = tpu.vector_load %arg6[%swap3A_402] {strides = array<i32>} : memref<512xi32, #tpu.memory_space<vmem>>, vector<16xi32>,
    %swap3A_404 = vector.shape_cast %swap3A_403 : vector<16xi32> to vector<16xi32>
    %swap3A_405 = vector.shape_cast %add3A_401 : vector<16xi32> to vector<16xi32>
    tpu.vector_store %arg6[%swap3A_402], %swap3A_405 {strides = array<i32>} : memref<512xi32, #tpu.memory_space<vmem>>, vector<16xi32>,
    %get3A_406 = arith.constant 432 : index
    %get3A_407 = tpu.vector_load %arg5[%get3A_406] {strides = array<i32>} : memref<512xi32, #tpu.memory_space<vmem>>, vector<16xi32>,
    %get3A_408 = vector.shape_cast %get3A_407 : vector<16xi32> to vector<16xi32>
    %add3A_409 = arith.constant 432 : i32
    %add3A_410 = arith.addi %mul3A_2, %add3A_409 : i32
    %add3A_411 = vector.broadcast %add3A_410 : i32 to vector<16xi32>
    %add3A_412 = arith.addi %add3A_411, %iota3A : vector<16xi32>
    %mul3A_413 = arith.constant 16384 : i32
    %mul3A_414 = vector.broadcast %mul3A_413 : i32 to vector<16xi32>
    %mul3A_415 = arith.muli %get3A_408, %mul3A_414 : vector<16xi32>
    %add3A_416 = arith.addi %mul3A_415, %add3A_412 : vector<16xi32>
    %swap3A_417 = arith.constant 432 : index
    %swap3A_418 = tpu.vector_load %arg6[%swap3A_417] {strides = array<i32>} : memref<512xi32, #tpu.memory_space<vmem>>, vector<16xi32>,
    %swap3A_419 = vector.shape_cast %swap3A_418 : vector<16xi32> to vector<16xi32>
    %swap3A_420 = vector.shape_cast %add3A_416 : vector<16xi32> to vector<16xi32>
    tpu.vector_store %arg6[%swap3A_417], %swap3A_420 {strides = array<i32>} : memref<512xi32, #tpu.memory_space<vmem>>, vector<16xi32>,
    %get3A_421 = arith.constant 448 : index
    %get3A_422 = tpu.vector_load %arg5[%get3A_421] {strides = array<i32>} : memref<512xi32, #tpu.memory_space<vmem>>, vector<16xi32>,
    %get3A_423 = vector.shape_cast %get3A_422 : vector<16xi32> to vector<16xi32>
    %add3A_424 = arith.constant 448 : i32
    %add3A_425 = arith.addi %mul3A_2, %add3A_424 : i32
    %add3A_426 = vector.broadcast %add3A_425 : i32 to vector<16xi32>
    %add3A_427 = arith.addi %add3A_426, %iota3A : vector<16xi32>
    %mul3A_428 = arith.constant 16384 : i32
    %mul3A_429 = vector.broadcast %mul3A_428 : i32 to vector<16xi32>
    %mul3A_430 = arith.muli %get3A_423, %mul3A_429 : vector<16xi32>
    %add3A_431 = arith.addi %mul3A_430, %add3A_427 : vector<16xi32>
    %swap3A_432 = arith.constant 448 : index
    %swap3A_433 = tpu.vector_load %arg6[%swap3A_432] {strides = array<i32>} : memref<512xi32, #tpu.memory_space<vmem>>, vector<16xi32>,
    %swap3A_434 = vector.shape_cast %swap3A_433 : vector<16xi32> to vector<16xi32>
    %swap3A_435 = vector.shape_cast %add3A_431 : vector<16xi32> to vector<16xi32>
    tpu.vector_store %arg6[%swap3A_432], %swap3A_435 {strides = array<i32>} : memref<512xi32, #tpu.memory_space<vmem>>, vector<16xi32>,
    %get3A_436 = arith.constant 464 : index
    %get3A_437 = tpu.vector_load %arg5[%get3A_436] {strides = array<i32>} : memref<512xi32, #tpu.memory_space<vmem>>, vector<16xi32>,
    %get3A_438 = vector.shape_cast %get3A_437 : vector<16xi32> to vector<16xi32>
    %add3A_439 = arith.constant 464 : i32
    %add3A_440 = arith.addi %mul3A_2, %add3A_439 : i32
    %add3A_441 = vector.broadcast %add3A_440 : i32 to vector<16xi32>
    %add3A_442 = arith.addi %add3A_441, %iota3A : vector<16xi32>
    %mul3A_443 = arith.constant 16384 : i32
    %mul3A_444 = vector.broadcast %mul3A_443 : i32 to vector<16xi32>
    %mul3A_445 = arith.muli %get3A_438, %mul3A_444 : vector<16xi32>
    %add3A_446 = arith.addi %mul3A_445, %add3A_442 : vector<16xi32>
    %swap3A_447 = arith.constant 464 : index
    %swap3A_448 = tpu.vector_load %arg6[%swap3A_447] {strides = array<i32>} : memref<512xi32, #tpu.memory_space<vmem>>, vector<16xi32>,
    %swap3A_449 = vector.shape_cast %swap3A_448 : vector<16xi32> to vector<16xi32>
    %swap3A_450 = vector.shape_cast %add3A_446 : vector<16xi32> to vector<16xi32>
    tpu.vector_store %arg6[%swap3A_447], %swap3A_450 {strides = array<i32>} : memref<512xi32, #tpu.memory_space<vmem>>, vector<16xi32>,
    %get3A_451 = arith.constant 480 : index
    %get3A_452 = tpu.vector_load %arg5[%get3A_451] {strides = array<i32>} : memref<512xi32, #tpu.memory_space<vmem>>, vector<16xi32>,
    %get3A_453 = vector.shape_cast %get3A_452 : vector<16xi32> to vector<16xi32>
    %add3A_454 = arith.constant 480 : i32
    %add3A_455 = arith.addi %mul3A_2, %add3A_454 : i32
    %add3A_456 = vector.broadcast %add3A_455 : i32 to vector<16xi32>
    %add3A_457 = arith.addi %add3A_456, %iota3A : vector<16xi32>
    %mul3A_458 = arith.constant 16384 : i32
    %mul3A_459 = vector.broadcast %mul3A_458 : i32 to vector<16xi32>
    %mul3A_460 = arith.muli %get3A_453, %mul3A_459 : vector<16xi32>
    %add3A_461 = arith.addi %mul3A_460, %add3A_457 : vector<16xi32>
    %swap3A_462 = arith.constant 480 : index
    %swap3A_463 = tpu.vector_load %arg6[%swap3A_462] {strides = array<i32>} : memref<512xi32, #tpu.memory_space<vmem>>, vector<16xi32>,
    %swap3A_464 = vector.shape_cast %swap3A_463 : vector<16xi32> to vector<16xi32>
    %swap3A_465 = vector.shape_cast %add3A_461 : vector<16xi32> to vector<16xi32>
    tpu.vector_store %arg6[%swap3A_462], %swap3A_465 {strides = array<i32>} : memref<512xi32, #tpu.memory_space<vmem>>, vector<16xi32>,
    %get3A_466 = arith.constant 496 : index
    %get3A_467 = tpu.vector_load %arg5[%get3A_466] {strides = array<i32>} : memref<512xi32, #tpu.memory_space<vmem>>, vector<16xi32>,
    %get3A_468 = vector.shape_cast %get3A_467 : vector<16xi32> to vector<16xi32>
    %add3A_469 = arith.constant 496 : i32
    %add3A_470 = arith.addi %mul3A_2, %add3A_469 : i32
    %add3A_471 = vector.broadcast %add3A_470 : i32 to vector<16xi32>
    %add3A_472 = arith.addi %add3A_471, %iota3A : vector<16xi32>
    %mul3A_473 = arith.constant 16384 : i32
    %mul3A_474 = vector.broadcast %mul3A_473 : i32 to vector<16xi32>
    %mul3A_475 = arith.muli %get3A_468, %mul3A_474 : vector<16xi32>
    %add3A_476 = arith.addi %mul3A_475, %add3A_472 : vector<16xi32>
    %swap3A_477 = arith.constant 496 : index
    %swap3A_478 = tpu.vector_load %arg6[%swap3A_477] {strides = array<i32>} : memref<512xi32, #tpu.memory_space<vmem>>, vector<16xi32>,
    %swap3A_479 = vector.shape_cast %swap3A_478 : vector<16xi32> to vector<16xi32>
    %swap3A_480 = vector.shape_cast %add3A_476 : vector<16xi32> to vector<16xi32>
    tpu.vector_store %arg6[%swap3A_477], %swap3A_480 {strides = array<i32>} : memref<512xi32, #tpu.memory_space<vmem>>, vector<16xi32>,
    %dma_start3A = arith.constant 0 : i32
    %dma_start3A_481 = tpu.memref_slice %arg7[%dma_start3A] : memref<512xf32, #tpu.memory_space<vmem>> -> memref<128xf32, #tpu.memory_space<vmem>>
    %dma_start3A_482 = arith.constant 0 : i32
    %dma_start3A_483 = tpu.memref_slice %arg6[%dma_start3A_482] : memref<512xi32, #tpu.memory_space<vmem>> -> memref<128xi32, #tpu.memory_space<vmem>>
    %dma_start3A_484 = arith.constant 0 : i32
    %dma_start3A_485 = tpu.memref_slice %arg2[%dma_start3A_484] : memref<16384000xf32, #tpu.memory_space<hbm>> -> memref<16384000xf32, #tpu.memory_space<hbm>>
    tpu.enqueue_indirect_dma source(%dma_start3A_485 : memref<16384000xf32, #tpu.memory_space<hbm>>) target(%dma_start3A_481 : memref<128xf32, #tpu.memory_space<vmem>>) offsets(%dma_start3A_483 : memref<128xi32, #tpu.memory_space<vmem>>) semaphore(%arg8 : memref<!tpu.dma_semaphore, #tpu.memory_space<semaphore_mem>>)
    %dma_wait3A = arith.constant 0 : i32
    %dma_wait3A_486 = tpu.memref_slice %arg7[%dma_wait3A] : memref<512xf32, #tpu.memory_space<vmem>> -> memref<128xf32, #tpu.memory_space<vmem>>
    %dma_wait3A_487 = arith.constant 0 : i32
    %dma_wait3A_488 = tpu.memref_slice %arg6[%dma_wait3A_487] : memref<512xi32, #tpu.memory_space<vmem>> -> memref<128xi32, #tpu.memory_space<vmem>>
    %dma_wait3A_489 = arith.constant 0 : i32
    %dma_wait3A_490 = tpu.memref_slice %arg2[%dma_wait3A_489] : memref<16384000xf32, #tpu.memory_space<hbm>> -> memref<16384000xf32, #tpu.memory_space<hbm>>
    tpu.wait_indirect_dma semaphore(%arg8 : memref<!tpu.dma_semaphore, #tpu.memory_space<semaphore_mem>>) src(%dma_wait3A_490 : memref<16384000xf32, #tpu.memory_space<hbm>>) dst(%dma_wait3A_486 : memref<128xf32, #tpu.memory_space<vmem>>)
    %dma_start3A_491 = arith.constant 128 : i32
    %dma_start3A_492 = tpu.memref_slice %arg7[%dma_start3A_491] : memref<512xf32, #tpu.memory_space<vmem>> -> memref<128xf32, #tpu.memory_space<vmem>>
    %dma_start3A_493 = arith.constant 128 : i32
    %dma_start3A_494 = tpu.memref_slice %arg6[%dma_start3A_493] : memref<512xi32, #tpu.memory_space<vmem>> -> memref<128xi32, #tpu.memory_space<vmem>>
    %dma_start3A_495 = arith.constant 0 : i32
    %dma_start3A_496 = tpu.memref_slice %arg2[%dma_start3A_495] : memref<16384000xf32, #tpu.memory_space<hbm>> -> memref<16384000xf32, #tpu.memory_space<hbm>>
    tpu.enqueue_indirect_dma source(%dma_start3A_496 : memref<16384000xf32, #tpu.memory_space<hbm>>) target(%dma_start3A_492 : memref<128xf32, #tpu.memory_space<vmem>>) offsets(%dma_start3A_494 : memref<128xi32, #tpu.memory_space<vmem>>) semaphore(%arg8 : memref<!tpu.dma_semaphore, #tpu.memory_space<semaphore_mem>>)
    %dma_wait3A_497 = arith.constant 128 : i32
    %dma_wait3A_498 = tpu.memref_slice %arg7[%dma_wait3A_497] : memref<512xf32, #tpu.memory_space<vmem>> -> memref<128xf32, #tpu.memory_space<vmem>>
    %dma_wait3A_499 = arith.constant 128 : i32
    %dma_wait3A_500 = tpu.memref_slice %arg6[%dma_wait3A_499] : memref<512xi32, #tpu.memory_space<vmem>> -> memref<128xi32, #tpu.memory_space<vmem>>
    %dma_wait3A_501 = arith.constant 0 : i32
    %dma_wait3A_502 = tpu.memref_slice %arg2[%dma_wait3A_501] : memref<16384000xf32, #tpu.memory_space<hbm>> -> memref<16384000xf32, #tpu.memory_space<hbm>>
    tpu.wait_indirect_dma semaphore(%arg8 : memref<!tpu.dma_semaphore, #tpu.memory_space<semaphore_mem>>) src(%dma_wait3A_502 : memref<16384000xf32, #tpu.memory_space<hbm>>) dst(%dma_wait3A_498 : memref<128xf32, #tpu.memory_space<vmem>>)
    %dma_start3A_503 = arith.constant 256 : i32
    %dma_start3A_504 = tpu.memref_slice %arg7[%dma_start3A_503] : memref<512xf32, #tpu.memory_space<vmem>> -> memref<128xf32, #tpu.memory_space<vmem>>
    %dma_start3A_505 = arith.constant 256 : i32
    %dma_start3A_506 = tpu.memref_slice %arg6[%dma_start3A_505] : memref<512xi32, #tpu.memory_space<vmem>> -> memref<128xi32, #tpu.memory_space<vmem>>
    %dma_start3A_507 = arith.constant 0 : i32
    %dma_start3A_508 = tpu.memref_slice %arg2[%dma_start3A_507] : memref<16384000xf32, #tpu.memory_space<hbm>> -> memref<16384000xf32, #tpu.memory_space<hbm>>
    tpu.enqueue_indirect_dma source(%dma_start3A_508 : memref<16384000xf32, #tpu.memory_space<hbm>>) target(%dma_start3A_504 : memref<128xf32, #tpu.memory_space<vmem>>) offsets(%dma_start3A_506 : memref<128xi32, #tpu.memory_space<vmem>>) semaphore(%arg8 : memref<!tpu.dma_semaphore, #tpu.memory_space<semaphore_mem>>)
    %dma_wait3A_509 = arith.constant 256 : i32
    %dma_wait3A_510 = tpu.memref_slice %arg7[%dma_wait3A_509] : memref<512xf32, #tpu.memory_space<vmem>> -> memref<128xf32, #tpu.memory_space<vmem>>
    %dma_wait3A_511 = arith.constant 256 : i32
    %dma_wait3A_512 = tpu.memref_slice %arg6[%dma_wait3A_511] : memref<512xi32, #tpu.memory_space<vmem>> -> memref<128xi32, #tpu.memory_space<vmem>>
    %dma_wait3A_513 = arith.constant 0 : i32
    %dma_wait3A_514 = tpu.memref_slice %arg2[%dma_wait3A_513] : memref<16384000xf32, #tpu.memory_space<hbm>> -> memref<16384000xf32, #tpu.memory_space<hbm>>
    tpu.wait_indirect_dma semaphore(%arg8 : memref<!tpu.dma_semaphore, #tpu.memory_space<semaphore_mem>>) src(%dma_wait3A_514 : memref<16384000xf32, #tpu.memory_space<hbm>>) dst(%dma_wait3A_510 : memref<128xf32, #tpu.memory_space<vmem>>)
    %dma_start3A_515 = arith.constant 384 : i32
    %dma_start3A_516 = tpu.memref_slice %arg7[%dma_start3A_515] : memref<512xf32, #tpu.memory_space<vmem>> -> memref<128xf32, #tpu.memory_space<vmem>>
    %dma_start3A_517 = arith.constant 384 : i32
    %dma_start3A_518 = tpu.memref_slice %arg6[%dma_start3A_517] : memref<512xi32, #tpu.memory_space<vmem>> -> memref<128xi32, #tpu.memory_space<vmem>>
    %dma_start3A_519 = arith.constant 0 : i32
    %dma_start3A_520 = tpu.memref_slice %arg2[%dma_start3A_519] : memref<16384000xf32, #tpu.memory_space<hbm>> -> memref<16384000xf32, #tpu.memory_space<hbm>>
    tpu.enqueue_indirect_dma source(%dma_start3A_520 : memref<16384000xf32, #tpu.memory_space<hbm>>) target(%dma_start3A_516 : memref<128xf32, #tpu.memory_space<vmem>>) offsets(%dma_start3A_518 : memref<128xi32, #tpu.memory_space<vmem>>) semaphore(%arg8 : memref<!tpu.dma_semaphore, #tpu.memory_space<semaphore_mem>>)
    %dma_wait3A_521 = arith.constant 384 : i32
    %dma_wait3A_522 = tpu.memref_slice %arg7[%dma_wait3A_521] : memref<512xf32, #tpu.memory_space<vmem>> -> memref<128xf32, #tpu.memory_space<vmem>>
    %dma_wait3A_523 = arith.constant 384 : i32
    %dma_wait3A_524 = tpu.memref_slice %arg6[%dma_wait3A_523] : memref<512xi32, #tpu.memory_space<vmem>> -> memref<128xi32, #tpu.memory_space<vmem>>
    %dma_wait3A_525 = arith.constant 0 : i32
    %dma_wait3A_526 = tpu.memref_slice %arg2[%dma_wait3A_525] : memref<16384000xf32, #tpu.memory_space<hbm>> -> memref<16384000xf32, #tpu.memory_space<hbm>>
    tpu.wait_indirect_dma semaphore(%arg8 : memref<!tpu.dma_semaphore, #tpu.memory_space<semaphore_mem>>) src(%dma_wait3A_526 : memref<16384000xf32, #tpu.memory_space<hbm>>) dst(%dma_wait3A_522 : memref<128xf32, #tpu.memory_space<vmem>>)
    "tpu.region"() ({
      %run_scoped3A = tpu.sem_alloc : memref<!tpu.dma_semaphore, #tpu.memory_space<semaphore_mem>>
      %dma_start3A_527 = tpu.memref_slice %arg4[%mul3A_2] : memref<16384xf32, #tpu.memory_space<hbm>> -> memref<512xf32, #tpu.memory_space<hbm>>
      %dma_start3A_528 = tpu.memref_slice %arg4[%mul3A_2] : memref<16384xf32, #tpu.memory_space<hbm>> -> memref<512xf32, #tpu.memory_space<hbm>>
      tpu.enqueue_dma source(%arg7 : memref<512xf32, #tpu.memory_space<vmem>>) target(%dma_start3A_528 : memref<512xf32, #tpu.memory_space<hbm>>) target_semaphore(%run_scoped3A : memref<!tpu.dma_semaphore, #tpu.memory_space<semaphore_mem>>)
      %dma_wait3A_529 = tpu.memref_slice %arg4[%mul3A_2] : memref<16384xf32, #tpu.memory_space<hbm>> -> memref<512xf32, #tpu.memory_space<hbm>>
      %dma_wait3A_530 = tpu.memref_slice %arg4[%mul3A_2] : memref<16384xf32, #tpu.memory_space<hbm>> -> memref<512xf32, #tpu.memory_space<hbm>>
      tpu.wait_dma2 semaphore(%run_scoped3A : memref<!tpu.dma_semaphore, #tpu.memory_space<semaphore_mem>>) src(%arg7 : memref<512xf32, #tpu.memory_space<vmem>>) dst(%dma_wait3A_530 : memref<512xf32, #tpu.memory_space<hbm>>)
      tpu.yield
    }) : () -> ()
    return
  }
}

</mosaic_0001>

<sc_bundles>
// kernel: _sc_gather.3.cloned.1.call-start
scs
__scs_entry_jumppad:
0x0: {  	(pc) =	sbr.rel $0x88, $3  }
0x1: {  	(tag) =	ssettag $0x0;
	lr =	simm.s32 $0x1  }
0x2: {  	[smem:$0x3F9F] =	sst lr;
	_ =	strace $0xD0000000  }
0x3: {  	_ = 	snop  }
0x4: {  	_ = 	snop  }
0x5: {  	_ = 	snop  }
0x6: {  	_ = 	snop  }
0x7: {  	_ = 	snop  }
__scs_overlays_trampoline_lowered:
0x8: {  	[smem:$0x3FAE] =	sst s0  }
0x9: {  	[smem:$0x3FAF] =	sst s1  }
0xa: {  	[smem:$0x3FB0] =	sst s2  }
0xb: {  	[smem:$0x3FB1] =	sst s3  }
0xc: {  	[smem:$0x3FB2] =	sst s4  }
0xd: {  	[smem:$0x3FB3] =	sst s5  }
0xe: {  	[smem:$0x3FB4] =	sst s6  }
0xf: {  	[smem:$0x3FB5] =	sst s7  }
0x10: {  	[smem:$0x3FB6] =	sst s8  }
0x11: {  	[smem:$0x3FB7] =	sst s9;
	s0 =	simm.s32 @!p0 $0x0  }
0x12: {  	s1 =	sld [smem:$0x3F9D];
	s0 =	simm.s32 @p0 $0x1  }
0x13: {  	[smem:$0x3FB8] =	sst s0;
	s0 =	simm.s32 @!p1 $0x0  }
0x14: {  	s2 =	sld [smem:$0x3F9C];
	s0 =	simm.s32 @p1 $0x1  }
0x15: {  	[smem:$0x3FB9] =	sst s0;
	s0 =	simm.s32 @!p2 $0x0  }
0x16: {  	s3 =	sld [smem:$0x3FDB];
	s0 =	simm.s32 @p2 $0x1  }
0x17: {  	s4 =	simm.s32 $0x1BF5;
	[smem:$0x3FBB] =	sst s0  }
0x18: {  	s0 =	sld [smem:$0x3F9E];
	_ =	swait.ge [sflag:s4], $0x0  }
0x19: {  	s7 =	sld [smem:$0x3F9F]  }
0x1a: {  	s8 =	sadd.s32 $0xFFFFE003, lr  }
0x1b: {  	s9 =	sadd.s32 $0xFFFFFEF7, lr;
	s5 =	simm.s32 $0xFFFFFFFF;
	p2 =	slt.u32 s8, $0xFFFFF086  }
0x1c: {  	p1 =	slt.u32 s9, $0xF7A;
	s5 =	simm.s32 @!p2 $0x0  }
0x1d: {  	s5 =	simm.s32 @p1 $0x1;
	p0 =	seq.s32 s7, s2  }
0x1e: {  	s7 =	smul.u32 @!p0 $0xF7A, s2;
	p2 =	seq.s32 @!p0 s5, $0x0  }
0x1f: {  	s9 =	smul.u32 $0xF7A, s1;
	s8 =	simm.s32 @!p0 $0x1BF5;
	p2 =	por !p2, p0  }
0x20: {  	[sflag:s8] =	ssyncset.s32 @!p0 $0xFFFFF086;
	s6 =	sadd.s32 @!p0 s3, s7;
	s7 =	simm.s32 @!p0 $0x108  }
0x21: {  	s3 =	sadd.s32 s3, s9;
	s6 =	sadd.s32 @!p0 $0x88, s6;
	s7 =	simm.s32 @p2 $0x1082  }
0x22: {  	[simem:s7], [sflag:s8] =	dma.local @!p0 [hbm:s6], $0xF7A  }
0x23: {  	s9 =	sor.u32 $0xD0000000, s2;
	s6 =	simm.s32 $0x108;
	_ =	swait.ge @!p0 [sflag:s8], $0x0  }
0x24: {  	s3 =	sadd.s32 $0x88, s3;
	s6 =	simm.s32 @!p1 $0x1082;
	[sflag:s4] =	ssyncset.s32 $0xFFFFF086  }
0x25: {  	[simem:s6], [sflag:s4] =	dma.local [hbm:s3], $0xF7A  }
0x26: {  	[smem:$0x3F9F] =	sst s1;
	(tag) =	ssettag s2;
	_ =	strace s9  }
0x27: {  	s1 =	sld [smem:$0x3FAF]  }
0x28: {  	s2 =	sld [smem:$0x3FB0]  }
0x29: {  	s4 =	sld [smem:$0x3FB2]  }
0x2a: {  	p0 =	seq.s32 s5, $0x0;
	s5 =	sld [smem:$0x3FB3]  }
0x2b: {  	s6 =	sld [smem:$0x3FB4]  }
0x2c: {  	s7 =	sld [smem:$0x3FB5]  }
0x2d: {  	s3 =	simm.s32 $0x108;
	s8 =	sld [smem:$0x3FB6]  }
0x2e: {  	s3 =	simm.s32 @!p0 $0x1082;
	s9 =	sld [smem:$0x3FB7]  }
0x2f: {  	lr =	sadd.s32 s0, s3;
	s0 =	sld [smem:$0x3FAE]  }
0x30: {  	s3 =	sld [smem:$0x3FB1]  }
0x31: {  	[smem:$0x3FBA] =	sst s10  }
0x32: {  	s10 =	sld [smem:$0x3FB8];
	_ =	sdelay $0x3  }
0x33: {  	p0 =	seq.s32 s10, $0x1;
	s10 =	sld [smem:$0x3FBA];
	_ =	sdelay $0x3  }
0x34: {  	[smem:$0x3FBA] =	sst s10  }
0x35: {  	s10 =	sld [smem:$0x3FB9];
	_ =	sdelay $0x3  }
0x36: {  	p1 =	seq.s32 s10, $0x1;
	s10 =	sld [smem:$0x3FBA];
	_ =	sdelay $0x3  }
0x37: {  	[smem:$0x3FBA] =	sst s10  }
0x38: {  	s10 =	sld [smem:$0x3FBB]  }
0x39: {  	_ = 	snop;
	(pc) =	sbr.ind lr, $3  }
0x3a: {  	_ = 	snop  }
0x3b: {  	_ = 	snop  }
0x3c: {  	p2 =	seq.s32 s10, $0x1;
	s10 =	sld [smem:$0x3FBA]  }
0x3d: {  	_ =	shalt  }
0x3e: {  	_ =	shalt  }
0x3f: {  	_ =	shalt  }
0x40: {  	_ =	shalt  }
0x41: {  	_ =	shalt  }
0x42: {  	_ =	shalt  }
0x43: {  	_ =	shalt  }
0x44: {  	_ =	shalt  }
0x45: {  	_ =	shalt  }
0x46: {  	_ =	shalt  }
0x47: {  	_ =	shalt  }
0x48: {  	_ =	shalt  }
0x49: {  	_ =	shalt  }
0x4a: {  	_ =	shalt  }
0x4b: {  	_ =	shalt  }
0x4c: {  	_ =	shalt  }
0x4d: {  	_ =	shalt  }
0x4e: {  	_ =	shalt  }
0x4f: {  	_ =	shalt  }
0x50: {  	_ =	shalt  }
0x51: {  	_ =	shalt  }
0x52: {  	_ =	shalt  }
0x53: {  	_ =	shalt  }
0x54: {  	_ =	shalt  }
0x55: {  	_ =	shalt  }
0x56: {  	_ =	shalt  }
0x57: {  	_ =	shalt  }
0x58: {  	_ =	shalt  }
0x59: {  	_ =	shalt  }
0x5a: {  	_ =	shalt  }
0x5b: {  	_ =	shalt  }
0x5c: {  	_ =	shalt  }
0x5d: {  	_ =	shalt  }
0x5e: {  	_ =	shalt  }
0x5f: {  	_ =	shalt  }
0x60: {  	_ =	shalt  }
0x61: {  	_ =	shalt  }
0x62: {  	_ =	shalt  }
0x63: {  	_ =	shalt  }
0x64: {  	_ =	shalt  }
0x65: {  	_ =	shalt  }
0x66: {  	_ =	shalt  }
0x67: {  	_ =	shalt  }
0x68: {  	_ =	shalt  }
0x69: {  	_ =	shalt  }
0x6a: {  	_ =	shalt  }
0x6b: {  	_ =	shalt  }
0x6c: {  	_ =	shalt  }
0x6d: {  	_ =	shalt  }
0x6e: {  	_ =	shalt  }
0x6f: {  	_ =	shalt  }
0x70: {  	_ =	shalt  }
0x71: {  	_ =	shalt  }
0x72: {  	_ =	shalt  }
0x73: {  	_ =	shalt  }
0x74: {  	_ =	shalt  }
0x75: {  	_ =	shalt  }
0x76: {  	_ =	shalt  }
0x77: {  	_ =	shalt  }
0x78: {  	_ =	shalt  }
0x79: {  	_ =	shalt  }
0x7a: {  	_ =	shalt  }
0x7b: {  	_ =	shalt  }
0x7c: {  	_ =	shalt  }
0x7d: {  	_ =	shalt  }
0x7e: {  	_ =	shalt  }
0x7f: {  	_ =	shalt  }
0x80: {  	_ =	shalt  }
0x81: {  	_ =	shalt  }
0x82: {  	_ =	shalt  }
0x83: {  	_ =	shalt  }
0x84: {  	_ =	shalt  }
0x85: {  	_ =	shalt  }
0x86: {  	_ =	shalt  }
0x87: {  	_ =	shalt  }
.Lfunc_end0:
.L_simem_size_0:
called_computation_lowered:
.L_overlay_start_0:
0x88: {  	s2 =	sld [smem:$0x3FD9]  }
0x89: {  	s3 =	sld [smem:$0x3FFE];
	_ =	sdelay $0x1  }
0x8a: {  	s1 =	srdreg.scid  }
0x8b: {  	s0 =	sand.u32 $0x1, s1  }
0x8c: {  	s18 =	sshll.u32 s0, $0xA;
	s2 =	sadd.s32 s3, s2  }
0x8d: {  	s2 =	sadd.s32 s2, s18  }
0x8e: {  	[smem:$0x3FC6] =	sst s2  }
0x8f: {  	_ = 	snop  }
0x90: {  	s2 =	sld [smem:$0x3FC9]  }
0x91: {  	s19 =	sld [smem:$0x3FC8]  }
0x92: {  	s4 =	sld [smem:$0x3FD0];
	(tm) =	ssettm $0x1  }
0x93: {  	s5 =	sld [smem:$0x3FFB];
	_ =	sdelay $0x3  }
0x94: {  	_ =	strace s5  }
0x95: {  	s5 =	sld [smem:$0x3FFC];
	_ =	sdelay $0x3  }
0x96: {  	_ =	strace s5  }
0x97: {  	s5 =	sld [smem:$0x3FFD];
	_ =	sdelay $0x3  }
0x98: {  	_ =	strace s5  }
0x99: {  	_ =	strace $0x8FFFFFFF  }
0x9a: {  	s20 =	sld [smem:$0x3FDB];
	_ =	sdelay $0x1  }
0x9b: {  	s6 =	simm.s32 $_scs_section_size  }
0x9c: {  	s7 =	simm.s32 $_size__tile_overlayer_lowered;
	s8 =	simm.s32 $_tile_overlayer_lowered  }
0x9d: {  	s23 =	simm.s32 $0x1BFF;
	s22 =	sshll.u32 s8, $0x1;
	s5 =	sadd.s32 s6, s20  }
0x9e: {  	s9 =	simm.s32 $0x0;
	s21 =	sshll.u32 s7, $0x1;
	s7 =	sadd.s32 s22, s5  }
0x9f: {  	[timem:s9], [sflag:s23] =	dma.local [hbm:s7], s21  }
0xa0: {  	_ =	swait.ge [sflag:s23], s21  }
0xa1: {  	s6 =	ssub.s32 $0x0, s21;
	[sflag:s23] =	ssyncset.done $0x0  }
0xa2: {  	[sflag:s23] =	ssyncadd.s32 s6;
	_ =	sdelay $0x1  }
0xa3: {  	s24 =	simm.s32 $0x1B8B  }
0xa4: {  	_ =	swait.ge [sflag:s24], $0x1  }
0xa5: {  	[sflag:s24] =	ssyncset.done $0x0  }
0xa6: {  	s25 =	simm.s32 $0x1B8E;
	[sflag:s24] =	ssyncadd.s32 $0xFFFFFFFF  }
0xa7: {  	s26 =	simm.s32 $execute0_lowered;
	[smem:$0x3FD2] =	sst s25  }
0xa8: {  	s6 =	sshll.u32 s26, $0x1;
	_ =	strace $0x80000046;
	[dreg:$0x1] =	wrdreg $0xFFFFFFFF  }
0xa9: {  	s28 =	simm.s32 $_size_execute0_lowered;
	s5 =	sadd.s32 s5, s6;
	[dreg:$0x0] =	wrdreg $0x0  }
0xaa: {  	s6 =	sshll.u32 s28, $0x1;
	[dreg:$0x2] =	wrdreg s5  }
0xab: {  	[dreg:$0x3] =	wrdreg s6  }
0xac: {  	[dreg:$0x4] =	wrdreg $0xC0  }
0xad: {  	_ =	task [dreg:s9], $0x5FFFF  }
0xae: {  	[dreg:$0x1] =	wrdreg $0xFFFFFFFF  }
0xaf: {  	[dreg:$0x0] =	wrdreg $0x60  }
0xb0: {  	[dreg:$0x2] =	wrdreg s2  }
0xb1: {  	[dreg:$0x3] =	wrdreg s19  }
0xb2: {  	[dreg:$0x4] =	wrdreg s4  }
0xb3: {  	[dreg:$0x5] =	wrdreg $0x9  }
0xb4: {  	_ =	task.clear_ibuf [dreg:s9], $0x6FFFF;
	_ =	strace $0x90000046  }
0xb5: {  	s29 =	simm.s32 $0x9;
	_ =	strace $0x80000048  }
0xb6: {  	_ =	swait.ge [sflag:s29], $0x1  }
0xb7: {  	[sflag:s29] =	ssyncadd.s32 $0xFFFFFFFF  }
0xb8: {  	_ =	strace $0x90000048  }
0xb9: {  	_ =	sfence  }
0xba: {  	s30 =	sld [smem:$0x0];
	_ =	sdelay $0x2  }
0xbb: {  	s31 =	sshll.u32 s1, $0xD;
	s1 =	sshrl.u32 s1, $0x2  }
0xbc: {  	s3 =	sand.u32 $0x4000, s31;
	s1 =	sadd.s32 s1, s30  }
0xbd: {  	s0 =	sor.u32 s3, s0;
	s1 =	sshll.u32 s1, $0x11  }
0xbe: {  	s0 =	sor.u32 s1, s0  }
0xbf: {  	s0 =	sadd.s32 $0x8F2B, s0  }
0xc0: {  	[sflag:s0] =	ssyncadd.remote.s32 $0x1  }
0xc1: {  	_ =	sfence.sel $0xFFFF  }
0xc2: {  	[dreg:$0x0] =	wrdreg $0xFFFFFFFF;
	(pc) =	sbr.abs _section_cstart, $3  }
0xc3: {  	[dreg:$0x1] =	wrdreg $0xFFFFFFFF  }
0xc4: {  	_ =	task.clear_ibuf [dreg:s9], $0x2FFFF;
	_ =	strace $0x9FFFFFFF  }
0xc5: {  	(tm) =	ssettm $0x7FFFFFFF  }
tec
execute0_lowered:
.L_overlay_start_1:
0x0: {  	(tag) =	ssettag $0x1  }
0x1: {  	s2 =	rddreg [dreg:$0x0]  }
0x2: {  	s5 =	rddreg [dreg:$0x1]  }
0x3: {  	s4 =	rddreg [dreg:$0x2]  }
0x4: {  	s0 =	rddreg [dreg:$0x3];
	s6 =	srdreg.scid;
	s3 =	simm.s32 $0x0  }
0x5: {  	s1 =	stileid.u32;
	p0 =	por $0x0, $0x0;
	s6 =	sand.u32 $0x1, s6  }
0x6: {  	s8 =	sshll.u32 s1, $0xA;
	s7 =	ssub.s32 $0x2, s6;
	s6 =	sshll.u32 s6, $0x9  }
0x7: {  	[smem:$0x7FF] =	sst s3;
	s9 =	sshrl.u32 s7, $0x1;
	s6 =	sor.u32 s6, s8  }
0x8: {  	_ =	strace $0x80000047;
	s7 =	ssub.s32 s7, s9;
	s8 =	sshrl.u32 s6, $0x3  }
0x9: {  	s9 =	sor.u32 $0x10, s6;
	s23 =	sor.u32 $0x20, s6;
	s10 =	sor.u32 $0x30, s6  }
0xa: {  	s11 =	sor.u32 $0x40, s6;
	s12 =	sor.u32 $0x50, s6;
	s13 =	sor.u32 $0x60, s6  }
0xb: {  	s14 =	sor.u32 $0x70, s6;
	s15 =	sor.u32 $0x80, s6;
	s17 =	sor.u32 $0x90, s6  }
0xc: {  	s18 =	sor.u32 $0xA0, s6;
	s19 =	sor.u32 $0xB0, s6;
	s20 =	sor.u32 $0xC0, s6  }
0xd: {  	v15 =	vlaneseq.u32;
	s21 =	sor.u32 $0xD0, s6;
	s22 =	sor.u32 $0xE0, s6;
	s24 =	sor.u32 $0xF0, s6  }
0xe: {  	s25 =	sor.u32 $0x100, s6;
	s31 =	sor.u32 $0x130, s6;
	s26 =	sor.u32 $0x1A0, s6;
	v9 =	vor.u32 s6, v15;
	v2 =	vor.u32 s9, v15  }
0xf: {  	s28 =	sor.u32 $0x1B0, s6;
	s29 =	sor.u32 $0x1C0, s6;
	s30 =	sor.u32 $0x1D0, s6;
	v12 =	vor.u32 s23, v15;
	v7 =	vor.u32 s10, v15;
	v10 =	vor.u32 s11, v15  }
0x10: {  	s16 =	sadd.s32 s5, s8;
	s23 =	sor.u32 $0x110, s6;
	v23 =	vor.u32 s12, v15;
	s11 =	sor.u32 $0x120, s6;
	v5 =	vor.u32 s13, v15;
	v8 =	vor.u32 s14, v15  }
0x11: {  	s12 =	sor.u32 $0x140, s6;
	v3 =	vor.u32 s15, v15;
	s13 =	sor.u32 $0x150, s6;
	s14 =	sor.u32 $0x160, s6;
	v1 =	vor.u32 s17, v15;
	v4 =	vor.u32 s18, v15  }
0x12: {  	s15 =	sor.u32 $0x170, s6;
	v0 =	vor.u32 s19, v15;
	s18 =	sor.u32 $0x180, s6;
	v30 =	vor.u32 s20, v15;
	v19 =	vor.u32 s31, v15;
	s31 =	smax.u32 s7, $0x1  }
0x13: {  	s19 =	sor.u32 $0x190, s6;
	v16 =	vor.u32 s21, v15;
	v29 =	vor.u32 s22, v15;
	v25 =	vor.u32 s24, v15;
	s4 =	sadd.s32 s4, s8;
	p1 =	sne.s32 s31, $0x1  }
.Ltmp0:
0x14: {  	v28 =	vor.u32 s25, v15;
	s24 =	sor.u32 $0x1E0, s6;
	s25 =	sor.u32 $0x1F0, s6;
	v14 =	vor.u32 s26, v15;
	v11 =	vor.u32 s28, v15;
	(pc) =	sbr.rel @!p1 .LBB2_3-.Ltmp0, $4  }
0x15: {  	s5 =	simm.s32 $0x2;
	s6 =	simm.s32 $0x80;
	s9 =	simm.s32 $0x200;
	v18 =	vor.u32 s29, v15;
	v17 =	vor.u32 s30, v15;
	v26 =	vor.u32 s23, v15  }
0x16: {  	s7 =	simm.s32 $0x400;
	s8 =	simm.s32 $0x1;
	s10 =	simm.s32 $0x300;
	v6 =	vor.u32 s11, v15;
	v27 =	vor.u32 s12, v15;
	v13 =	vor.u32 s13, v15  }
0x17: {  	v20 =	vor.u32 s14, v15;
	v24 =	vor.u32 s15, v15;
	v21 =	vor.u32 s18, v15;
	s12 =	simm.s32 $0x280;
	s13 =	simm.s32 $0x480;
	s14 =	simm.s32 $0x500  }
0x18: {  	v22 =	vor.u32 s19, v15;
	s11 =	simm.s32 $0x380;
	v31 =	vor.u32 s24, v15;
	v15 =	vor.u32 s25, v15;
	s15 =	simm.s32 $0x580;
	s17 =	sadd.s32 $0xFFFFFFFF, s31  }
0x19: {  	[tilespmem:s3], [sflag:$0x2] =	stream.linear.gather [hbm4b:s16+s3], $0x200, $0x38;
	[tilespmem:$0x600] =	vst v63  }
0x1a: {  	_ =	swait.ge [sflag:s5], $0x200  }
0x1b: {  	[sflag:s5] =	ssyncset.done $0x0  }
0x1c: {  	[sflag:s5] =	ssyncadd.s32 $0xFFFFFE00  }
0x1d: {  	v32 =	vld [tilespmem:$0xC0]  }
0x1e: {  	v33 =	vld [tilespmem:$0x50]  }
0x1f: {  	v34 =	vld [tilespmem:$0xE0]  }
0x20: {  	v35 =	vld [tilespmem:$0x1E0]  }
0x21: {  	v36 =	vld [tilespmem:$0x100]  }
0x22: {  	v37 =	vld [tilespmem:$0xF0]  }
0x23: {  	v38 =	vld [tilespmem:$0x110]  }
0x24: {  	v53 =	vld [tilespmem:$0x140];
	v32 =	vshll.u32 v32, $0xE  }
0x25: {  	v39 =	vld [tilespmem:$0xD0];
	v33 =	vshll.u32 v33, $0xE;
	v32 =	vor.u32 v30, v32  }
0x26: {  	v59 =	vld [tilespmem:$0x130];
	v35 =	vshll.u32 v35, $0xE;
	v33 =	vor.u32 v23, v33;
	[tilespmem:$0x2C0] =	vst v32  }
0x27: {  	v43 =	vld [tilespmem:$0x190];
	v56 =	vshll.u32 v37, $0xE;
	v35 =	vor.u32 v31, v35;
	[tilespmem:$0x250] =	vst v33  }
0x28: {  	v38 =	vshll.u32 v38, $0xE;
	v58 =	vor.u32 v25, v56;
	[tilespmem:$0x3E0] =	vst v35  }
0x29: {  	v63 =	vld [tilespmem:$0x180];
	v52 =	vshll.u32 v34, $0xE;
	v34 =	vshll.u32 v53, $0xE;
	v60 =	vor.u32 v26, v38;
	[tilespmem:$0x2F0] =	vst v58  }
0x2a: {  	v49 =	vld [tilespmem:$0x40];
	v42 =	vshll.u32 v39, $0xE;
	v62 =	vor.u32 v27, v34;
	[tilespmem:$0x310] =	vst v60  }
0x2b: {  	v55 =	vshll.u32 v36, $0xE;
	v36 =	vshll.u32 v59, $0xE;
	v44 =	vor.u32 v16, v42;
	[tilespmem:$0x340] =	vst v62  }
0x2c: {  	v54 =	vld [tilespmem:$0x20];
	v39 =	vshll.u32 v43, $0xE;
	v36 =	vor.u32 v19, v36;
	[tilespmem:$0x2D0] =	vst v44  }
0x2d: {  	v61 =	vld [tilespmem:$0x160];
	v51 =	vor.u32 v22, v39;
	[tilespmem:$0x330] =	vst v36  }
0x2e: {  	v46 =	vld [tilespmem:$0x1C0];
	v34 =	vshll.u32 v63, $0xE;
	v32 =	vor.u32 v29, v52;
	[tilespmem:$0x390] =	vst v51  }
0x2f: {  	v50 =	vld [tilespmem:$0x1A0];
	v38 =	vshll.u32 v49, $0xE;
	v34 =	vor.u32 v21, v34;
	[tilespmem:$0x2E0] =	vst v32  }
0x30: {  	v57 =	vld [tilespmem:$0x170];
	v59 =	vor.u32 v10, v38;
	[tilespmem:$0x380] =	vst v34  }
0x31: {  	v47 =	vld [tilespmem:$0x150];
	v33 =	vshll.u32 v54, $0xE;
	v32 =	vor.u32 v28, v55;
	[tilespmem:$0x240] =	vst v59  }
0x32: {  	v48 =	vld [tilespmem:$0x1D0];
	v35 =	vshll.u32 v61, $0xE;
	v33 =	vor.u32 v12, v33;
	[tilespmem:$0x300] =	vst v32  }
0x33: {  	v53 =	vld [tilespmem:$0x1F0];
	v52 =	vshll.u32 v46, $0xE;
	v35 =	vor.u32 v20, v35;
	[tilespmem:$0x220] =	vst v33  }
0x34: {  	v56 =	vld [tilespmem:$0x10];
	v58 =	vshll.u32 v50, $0xE;
	v34 =	vor.u32 v18, v52;
	[tilespmem:$0x360] =	vst v35  }
0x35: {  	v45 =	vshll.u32 v57, $0xE;
	v54 =	vld [tilespmem:$0x30];
	v61 =	vor.u32 v14, v58;
	[tilespmem:$0x3C0] =	vst v34  }
0x36: {  	v60 =	vld [tilespmem:$0x60];
	v33 =	vor.u32 v24, v45;
	v32 =	vshll.u32 v47, $0xE;
	[tilespmem:$0x3A0] =	vst v61  }
0x37: {  	v62 =	vld [tilespmem:$0x80];
	[tilespmem:$0x370] =	vst v33;
	v32 =	vor.u32 v13, v32;
	v33 =	vshll.u32 v48, $0xE  }
0x38: {  	v50 =	vld [tilespmem:$0xB0];
	v63 =	vshll.u32 v53, $0xE;
	[tilespmem:$0x350] =	vst v32;
	v57 =	vor.u32 v17, v33  }
0x39: {  	v51 =	vld [tilespmem:$0x1B0];
	v44 =	vor.u32 v15, v63;
	v46 =	vshll.u32 v56, $0xE;
	[tilespmem:$0x3D0] =	vst v57  }
0x3a: {  	v55 =	vld [tilespmem:$0x70];
	v42 =	vshll.u32 v54, $0xE;
	[tilespmem:$0x3F0] =	vst v44;
	v32 =	vor.u32 v2, v46  }
0x3b: {  	v43 =	vld [tilespmem:$0xA0];
	v49 =	vshll.u32 v60, $0xE;
	v37 =	vor.u32 v7, v42;
	[tilespmem:$0x210] =	vst v32  }
0x3c: {  	v45 =	vld [tilespmem:$0x0];
	v33 =	vshll.u32 v62, $0xE;
	v52 =	vor.u32 v5, v49;
	[tilespmem:$0x230] =	vst v37  }
0x3d: {  	v48 =	vld [tilespmem:$0x90];
	v59 =	vshll.u32 v50, $0xE;
	v54 =	vor.u32 v3, v33;
	[tilespmem:$0x260] =	vst v52  }
0x3e: {  	v53 =	vld [tilespmem:$0x120];
	v60 =	vshll.u32 v51, $0xE;
	v61 =	vor.u32 v0, v59;
	[tilespmem:$0x280] =	vst v54  }
0x3f: {  	v35 =	vshll.u32 v55, $0xE;
	v34 =	vor.u32 v11, v60;
	[tilespmem:$0x2B0] =	vst v61  }
0x40: {  	v55 =	vshll.u32 v43, $0xE;
	v47 =	vor.u32 v8, v35;
	[tilespmem:$0x3B0] =	vst v34  }
0x41: {  	v36 =	vshll.u32 v45, $0xE;
	v56 =	vor.u32 v4, v55;
	[tilespmem:$0x270] =	vst v47  }
0x42: {  	v57 =	vor.u32 v9, v36;
	v35 =	vshll.u32 v48, $0xE;
	[tilespmem:$0x2A0] =	vst v56  }
0x43: {  	v62 =	vshll.u32 v53, $0xE;
	[tilespmem:$0x200] =	vst v57;
	v58 =	vor.u32 v1, v35  }
0x44: {  	v63 =	vor.u32 v6, v62;
	[tilespmem:$0x290] =	vst v58  }
0x45: {  	p1 =	sne.s32 s17, $0x1;
	[tilespmem:$0x320] =	vst v63  }
0x46: {  	[tilespmem:s7], [sflag:$0x1] =	stream.indirect.gather [hbm4b:s2+s6], $0x1, s9, s6, $0xb8;
	[tilespmem:$0x600] =	vst v63  }
.Ltmp1:
0x47: {  	_ =	swait.ge [sflag:s8], $0x80;
	(pc) =	sbr.rel @!p1 .LBB2_3-.Ltmp1, $4  }
0x48: {  	[sflag:s8] =	ssyncset.done $0x0  }
0x49: {  	[sflag:s8] =	ssyncadd.s32 $0xFFFFFF80  }
0x4a: {  	[tilespmem:s13], [sflag:$0x1] =	stream.indirect.gather [hbm4b:s2+s6], $0x1, s12, s6, $0xb8;
	[tilespmem:$0x600] =	vst v63  }
0x4b: {  	s17 =	sadd.s32 $0xFFFFFFFF, s17;
	p0 =	por $0x1, $0x1;
	_ =	swait.ge [sflag:s8], $0x80  }
.LBB2_2:
0x4c: {  	p1 =	sne.s32 s17, $0x1;
	s17 =	sadd.s32 $0xFFFFFFFF, s17;
	[sflag:s8] =	ssyncset.done $0x0  }
0x4d: {  	[sflag:s8] =	ssyncadd.s32 $0xFFFFFF80  }
0x4e: {  	[tilespmem:s14], [sflag:$0x1] =	stream.indirect.gather [hbm4b:s2+s6], $0x1, s10, s6, $0xb8;
	[tilespmem:$0x600] =	vst v63  }
0x4f: {  	_ =	swait.ge [sflag:s8], $0x80  }
0x50: {  	[sflag:s8] =	ssyncset.done $0x0  }
0x51: {  	[sflag:s8] =	ssyncadd.s32 $0xFFFFFF80  }
0x52: {  	[tilespmem:s15], [sflag:$0x1] =	stream.indirect.gather [hbm4b:s2+s6], $0x1, s11, s6, $0xb8;
	[tilespmem:$0x600] =	vst v63  }
0x53: {  	_ =	swait.ge [sflag:s8], $0x80  }
0x54: {  	[sflag:s8] =	ssyncset.done $0x0  }
0x55: {  	[sflag:s8] =	ssyncadd.s32 $0xFFFFFF80  }
0x56: {  	[hbm4b:s4+s3] =	stream.linear.scatter [tilespmem:s7], [sflag:$0x2], $0x200, $0x38;
	[tilespmem:$0x600] =	vst v63  }
0x57: {  	_ =	swait.ge [sflag:s5], $0x200  }
0x58: {  	[sflag:s5] =	ssyncset.done $0x0  }
0x59: {  	[sflag:s5] =	ssyncadd.s32 $0xFFFFFE00  }
0x5a: {  	[tilespmem:s3], [sflag:$0x2] =	stream.linear.gather [hbm4b:s16+s3], $0x200, $0x38;
	[tilespmem:$0x600] =	vst v63  }
0x5b: {  	_ =	swait.ge [sflag:s5], $0x200  }
0x5c: {  	[sflag:s5] =	ssyncset.done $0x0  }
0x5d: {  	[sflag:s5] =	ssyncadd.s32 $0xFFFFFE00  }
0x5e: {  	v32 =	vld [tilespmem:$0xD0]  }
0x5f: {  	v33 =	vld [tilespmem:$0xC0]  }
0x60: {  	v34 =	vld [tilespmem:$0x50]  }
0x61: {  	v35 =	vld [tilespmem:$0xE0]  }
0x62: {  	v36 =	vld [tilespmem:$0xF0]  }
0x63: {  	v37 =	vld [tilespmem:$0x1E0]  }
0x64: {  	v33 =	vshll.u32 v33, $0xE;
	v38 =	vld [tilespmem:$0x100]  }
0x65: {  	v32 =	vshll.u32 v32, $0xE;
	v34 =	vshll.u32 v34, $0xE;
	v33 =	vor.u32 v30, v33;
	v39 =	vld [tilespmem:$0x110]  }
0x66: {  	v32 =	vor.u32 v16, v32;
	v34 =	vor.u32 v23, v34;
	[tilespmem:$0x2C0] =	vst v33;
	v33 =	vshll.u32 v35, $0xE;
	v35 =	vld [tilespmem:$0x120]  }
0x67: {  	[tilespmem:$0x250] =	vst v34;
	v33 =	vor.u32 v29, v33;
	v34 =	vshll.u32 v36, $0xE;
	v36 =	vld [tilespmem:$0x140]  }
0x68: {  	v40 =	vld [tilespmem:$0x20];
	[tilespmem:$0x2E0] =	vst v33;
	v33 =	vor.u32 v25, v34;
	v34 =	vshll.u32 v37, $0xE  }
0x69: {  	v37 =	vshll.u32 v38, $0xE;
	v38 =	vld [tilespmem:$0x130];
	v34 =	vor.u32 v31, v34  }
0x6a: {  	v37 =	vor.u32 v28, v37;
	v39 =	vshll.u32 v39, $0xE;
	v41 =	vld [tilespmem:$0x170];
	[tilespmem:$0x3E0] =	vst v34  }
0x6b: {  	[tilespmem:$0x300] =	vst v37;
	v34 =	vor.u32 v26, v39;
	v35 =	vshll.u32 v35, $0xE;
	v37 =	vld [tilespmem:$0x190]  }
0x6c: {  	[tilespmem:$0x2F0] =	vst v33;
	v33 =	vor.u32 v6, v35;
	v35 =	vshll.u32 v36, $0xE;
	v36 =	vld [tilespmem:$0x160]  }
0x6d: {  	v39 =	vshll.u32 v40, $0xE;
	[tilespmem:$0x310] =	vst v34;
	v34 =	vor.u32 v27, v35;
	v35 =	vld [tilespmem:$0x180]  }
0x6e: {  	v39 =	vor.u32 v12, v39;
	v38 =	vshll.u32 v38, $0xE;
	[tilespmem:$0x340] =	vst v34;
	v34 =	vld [tilespmem:$0x1A0]  }
0x6f: {  	[tilespmem:$0x220] =	vst v39;
	v38 =	vor.u32 v19, v38;
	v39 =	vshll.u32 v41, $0xE;
	v40 =	vld [tilespmem:$0x1C0]  }
0x70: {  	[tilespmem:$0x2D0] =	vst v32;
	v32 =	vld [tilespmem:$0x150];
	v39 =	vor.u32 v24, v39;
	v37 =	vshll.u32 v37, $0xE  }
0x71: {  	v36 =	vshll.u32 v36, $0xE;
	[tilespmem:$0x370] =	vst v39;
	v37 =	vor.u32 v22, v37;
	v39 =	vld [tilespmem:$0x1D0]  }
0x72: {  	v41 =	vld [tilespmem:$0x40];
	[tilespmem:$0x330] =	vst v38;
	v36 =	vor.u32 v20, v36;
	v35 =	vshll.u32 v35, $0xE  }
0x73: {  	[tilespmem:$0x360] =	vst v36;
	v35 =	vor.u32 v21, v35;
	v34 =	vshll.u32 v34, $0xE;
	v36 =	vld [tilespmem:$0x1B0]  }
0x74: {  	[tilespmem:$0x380] =	vst v35;
	v34 =	vor.u32 v14, v34;
	v35 =	vshll.u32 v40, $0xE;
	v38 =	vld [tilespmem:$0x1F0]  }
0x75: {  	v40 =	vld [tilespmem:$0x30];
	v32 =	vshll.u32 v32, $0xE;
	[tilespmem:$0x390] =	vst v37;
	v35 =	vor.u32 v18, v35  }
0x76: {  	v37 =	vld [tilespmem:$0x70];
	v32 =	vor.u32 v13, v32;
	[tilespmem:$0x3C0] =	vst v35;
	v35 =	vshll.u32 v39, $0xE  }
0x77: {  	v39 =	vld [tilespmem:$0x10];
	v41 =	vshll.u32 v41, $0xE;
	[tilespmem:$0x350] =	vst v32;
	v32 =	vor.u32 v17, v35  }
0x78: {  	v35 =	vor.u32 v10, v41;
	v41 =	vld [tilespmem:$0x60];
	v36 =	vshll.u32 v36, $0xE;
	[tilespmem:$0x3D0] =	vst v32  }
0x79: {  	[tilespmem:$0x240] =	vst v35;
	v32 =	vld [tilespmem:$0x80];
	v35 =	vor.u32 v11, v36;
	v36 =	vshll.u32 v38, $0xE  }
0x7a: {  	v38 =	vshll.u32 v40, $0xE;
	v40 =	vld [tilespmem:$0xA0];
	[tilespmem:$0x3A0] =	vst v34;
	v34 =	vor.u32 v15, v36  }
0x7b: {  	v36 =	vld [tilespmem:$0x0];
	v38 =	vor.u32 v7, v38;
	v37 =	vshll.u32 v37, $0xE;
	[tilespmem:$0x3F0] =	vst v34  }
0x7c: {  	v34 =	vshll.u32 v39, $0xE;
	[tilespmem:$0x230] =	vst v38;
	v37 =	vor.u32 v8, v37;
	v38 =	vld [tilespmem:$0x90]  }
0x7d: {  	v34 =	vor.u32 v2, v34;
	v39 =	vshll.u32 v41, $0xE;
	[tilespmem:$0x270] =	vst v37;
	v37 =	vld [tilespmem:$0xB0]  }
0x7e: {  	[tilespmem:$0x210] =	vst v34;
	v34 =	vor.u32 v5, v39;
	v32 =	vshll.u32 v32, $0xE  }
0x7f: {  	[tilespmem:$0x260] =	vst v34;
	v32 =	vor.u32 v3, v32;
	v34 =	vshll.u32 v40, $0xE  }
0x80: {  	v36 =	vshll.u32 v36, $0xE;
	[tilespmem:$0x280] =	vst v32;
	v32 =	vor.u32 v4, v34  }
0x81: {  	v34 =	vor.u32 v9, v36;
	v36 =	vshll.u32 v38, $0xE;
	[tilespmem:$0x2A0] =	vst v32  }
0x82: {  	[tilespmem:$0x200] =	vst v34;
	v32 =	vor.u32 v1, v36;
	v34 =	vshll.u32 v37, $0xE  }
0x83: {  	[tilespmem:$0x290] =	vst v32;
	v32 =	vor.u32 v0, v34  }
0x84: {  	[tilespmem:$0x2B0] =	vst v32  }
0x85: {  	[tilespmem:$0x3B0] =	vst v35  }
0x86: {  	[tilespmem:$0x320] =	vst v33  }
0x87: {  	[tilespmem:s7], [sflag:$0x1] =	stream.indirect.gather [hbm4b:s2+s6], $0x1, s9, s6, $0xb8;
	[tilespmem:$0x600] =	vst v63  }
.Ltmp2:
0x88: {  	_ =	swait.ge [sflag:s8], $0x80;
	(pc) =	sbr.rel @p1 .LBB2_2-.Ltmp2, $4  }
0x89: {  	[sflag:s8] =	ssyncset.done $0x0  }
0x8a: {  	[sflag:s8] =	ssyncadd.s32 $0xFFFFFF80  }
0x8b: {  	[tilespmem:s13], [sflag:$0x1] =	stream.indirect.gather [hbm4b:s2+s6], $0x1, s12, s6, $0xb8;
	[tilespmem:$0x600] =	vst v63  }
0x8c: {  	_ =	swait.ge [sflag:s8], $0x80  }
.LBB2_3:
0x8d: {  	[sflag:s8] =	ssyncset.done @p0 $0x0  }
0x8e: {  	[sflag:s8] =	ssyncadd.s32 @p0 $0xFFFFFF80  }
0x8f: {  	[tilespmem:s14], [sflag:$0x1] =	stream.indirect.gather @p0 [hbm4b:s2+s6], $0x1, s10, s6, $0xb8;
	[tilespmem:$0x600] =	vst v63  }
0x90: {  	_ =	swait.ge @p0 [sflag:s8], $0x80  }
0x91: {  	[sflag:s8] =	ssyncset.done @p0 $0x0  }
0x92: {  	[sflag:s8] =	ssyncadd.s32 @p0 $0xFFFFFF80  }
0x93: {  	[tilespmem:s15], [sflag:$0x1] =	stream.indirect.gather @p0 [hbm4b:s2+s6], $0x1, s11, s6, $0xb8;
	[tilespmem:$0x600] =	vst v63  }
0x94: {  	_ =	swait.ge @p0 [sflag:s8], $0x80  }
0x95: {  	[sflag:s8] =	ssyncset.done @p0 $0x0  }
0x96: {  	[sflag:s8] =	ssyncadd.s32 @p0 $0xFFFFFF80  }
0x97: {  	[hbm4b:s4+s3] =	stream.linear.scatter @p0 [tilespmem:s7], [sflag:$0x2], $0x200, $0x38;
	[tilespmem:$0x600] =	vst v63  }
0x98: {  	_ =	swait.ge @p0 [sflag:s5], $0x200  }
0x99: {  	[sflag:s5] =	ssyncset.done @p0 $0x0  }
0x9a: {  	[sflag:s5] =	ssyncadd.s32 @p0 $0xFFFFFE00  }
0x9b: {  	[tilespmem:s3], [sflag:$0x2] =	stream.linear.gather [hbm4b:s16+s3], $0x200, $0x38;
	[tilespmem:$0x600] =	vst v63  }
0x9c: {  	_ =	swait.ge [sflag:s5], $0x200  }
0x9d: {  	[sflag:s5] =	ssyncset.done $0x0  }
0x9e: {  	[sflag:s5] =	ssyncadd.s32 $0xFFFFFE00  }
0x9f: {  	v32 =	vld [tilespmem:$0xC0]  }
0xa0: {  	v33 =	vld [tilespmem:$0x50]  }
0xa1: {  	v34 =	vld [tilespmem:$0xE0]  }
0xa2: {  	v37 =	vld [tilespmem:$0xF0]  }
0xa3: {  	v59 =	vld [tilespmem:$0x110]  }
0xa4: {  	v61 =	vld [tilespmem:$0x140];
	v32 =	vshll.u32 v32, $0xE  }
0xa5: {  	v39 =	vld [tilespmem:$0xD0];
	v33 =	vshll.u32 v33, $0xE;
	v30 =	vor.u32 v30, v32  }
0xa6: {  	v43 =	vld [tilespmem:$0x130];
	v60 =	vshll.u32 v34, $0xE;
	v23 =	vor.u32 v23, v33;
	[tilespmem:$0x2C0] =	vst v30  }
0xa7: {  	v47 =	vld [tilespmem:$0x160];
	v41 =	vshll.u32 v37, $0xE;
	v62 =	vor.u32 v29, v60;
	[tilespmem:$0x250] =	vst v23  }
0xa8: {  	v35 =	vld [tilespmem:$0x1E0];
	v44 =	vshll.u32 v59, $0xE;
	v25 =	vor.u32 v25, v41;
	[tilespmem:$0x2E0] =	vst v62  }
0xa9: {  	v36 =	vld [tilespmem:$0x100];
	v46 =	vshll.u32 v61, $0xE;
	v45 =	vor.u32 v26, v44;
	[tilespmem:$0x2F0] =	vst v25  }
0xaa: {  	v63 =	vld [tilespmem:$0x20];
	v50 =	vshll.u32 v39, $0xE;
	v48 =	vor.u32 v27, v46;
	[tilespmem:$0x310] =	vst v45  }
0xab: {  	v49 =	vld [tilespmem:$0x180];
	v54 =	vshll.u32 v43, $0xE;
	v16 =	vor.u32 v16, v50;
	[tilespmem:$0x340] =	vst v48  }
0xac: {  	v58 =	vld [tilespmem:$0x40];
	v56 =	vshll.u32 v47, $0xE;
	v19 =	vor.u32 v19, v54;
	[tilespmem:$0x2D0] =	vst v16  }
0xad: {  	v42 =	vld [tilespmem:$0x170];
	v38 =	vshll.u32 v35, $0xE;
	v59 =	vor.u32 v20, v56;
	[tilespmem:$0x330] =	vst v19  }
0xae: {  	v51 =	vld [tilespmem:$0x190];
	v40 =	vshll.u32 v36, $0xE;
	v30 =	vor.u32 v31, v38;
	[tilespmem:$0x360] =	vst v59  }
0xaf: {  	v53 =	vld [tilespmem:$0x1C0];
	v29 =	vshll.u32 v63, $0xE;
	v23 =	vor.u32 v28, v40;
	[tilespmem:$0x3E0] =	vst v30  }
0xb0: {  	v55 =	vld [tilespmem:$0x150];
	v60 =	vshll.u32 v49, $0xE;
	v12 =	vor.u32 v12, v29;
	[tilespmem:$0x300] =	vst v23  }
0xb1: {  	v57 =	vld [tilespmem:$0x1D0];
	v33 =	vshll.u32 v58, $0xE;
	v63 =	vor.u32 v21, v60;
	[tilespmem:$0x220] =	vst v12  }
0xb2: {  	v52 =	vshll.u32 v42, $0xE;
	v61 =	vld [tilespmem:$0x1A0];
	v10 =	vor.u32 v10, v33;
	[tilespmem:$0x380] =	vst v63  }
0xb3: {  	v35 =	vld [tilespmem:$0x60];
	v62 =	vshll.u32 v51, $0xE;
	v12 =	vor.u32 v24, v52;
	[tilespmem:$0x240] =	vst v10  }
0xb4: {  	v37 =	vld [tilespmem:$0x80];
	v28 =	vshll.u32 v53, $0xE;
	v27 =	vor.u32 v22, v62;
	[tilespmem:$0x370] =	vst v12  }
0xb5: {  	v42 =	vld [tilespmem:$0x0];
	v16 =	vshll.u32 v55, $0xE;
	v18 =	vor.u32 v18, v28;
	[tilespmem:$0x390] =	vst v27  }
0xb6: {  	v32 =	vld [tilespmem:$0x10];
	v13 =	vor.u32 v13, v16;
	[tilespmem:$0x3C0] =	vst v18;
	v12 =	vshll.u32 v57, $0xE  }
0xb7: {  	v46 =	vld [tilespmem:$0x90];
	[tilespmem:$0x350] =	vst v13;
	v12 =	vor.u32 v17, v12;
	v34 =	vshll.u32 v61, $0xE  }
0xb8: {  	v49 =	vld [tilespmem:$0x1B0];
	v47 =	vshll.u32 v35, $0xE;
	[tilespmem:$0x3D0] =	vst v12;
	v36 =	vor.u32 v14, v34  }
0xb9: {  	v29 =	vld [tilespmem:$0x1F0];
	v51 =	vshll.u32 v37, $0xE;
	v50 =	vor.u32 v5, v47;
	[tilespmem:$0x3A0] =	vst v36  }
0xba: {  	v31 =	vld [tilespmem:$0x70];
	v55 =	vshll.u32 v42, $0xE;
	v53 =	vor.u32 v3, v51;
	[tilespmem:$0x260] =	vst v50  }
0xbb: {  	v40 =	vld [tilespmem:$0xA0];
	v44 =	vshll.u32 v32, $0xE;
	v57 =	vor.u32 v9, v55;
	[tilespmem:$0x280] =	vst v53  }
0xbc: {  	v48 =	vld [tilespmem:$0xB0];
	v58 =	vshll.u32 v46, $0xE;
	v2 =	vor.u32 v2, v44;
	[tilespmem:$0x200] =	vst v57  }
0xbd: {  	v30 =	vld [tilespmem:$0x30];
	v60 =	vshll.u32 v49, $0xE;
	v1 =	vor.u32 v1, v58;
	[tilespmem:$0x210] =	vst v2  }
0xbe: {  	v52 =	vld [tilespmem:$0x120];
	v38 =	vshll.u32 v29, $0xE;
	v62 =	vor.u32 v11, v60;
	[tilespmem:$0x290] =	vst v1  }
0xbf: {  	v43 =	vshll.u32 v31, $0xE;
	v41 =	vor.u32 v15, v38;
	[tilespmem:$0x3B0] =	vst v62  }
0xc0: {  	v54 =	vshll.u32 v40, $0xE;
	v45 =	vor.u32 v8, v43;
	[tilespmem:$0x3F0] =	vst v41  }
0xc1: {  	v59 =	vshll.u32 v48, $0xE;
	v56 =	vor.u32 v4, v54;
	[tilespmem:$0x270] =	vst v45  }
0xc2: {  	v39 =	vshll.u32 v30, $0xE;
	v0 =	vor.u32 v0, v59;
	[tilespmem:$0x2A0] =	vst v56  }
0xc3: {  	v61 =	vshll.u32 v52, $0xE;
	v7 =	vor.u32 v7, v39;
	[tilespmem:$0x2B0] =	vst v0  }
0xc4: {  	v63 =	vor.u32 v6, v61;
	[tilespmem:$0x230] =	vst v7  }
0xc5: {  	[tilespmem:$0x320] =	vst v63  }
0xc6: {  	[tilespmem:s7], [sflag:$0x1] =	stream.indirect.gather [hbm4b:s2+s6], $0x1, s9, s6, $0xb8;
	[tilespmem:$0x600] =	vst v63  }
0xc7: {  	_ =	swait.ge [sflag:s8], $0x80  }
0xc8: {  	[sflag:s8] =	ssyncset.done $0x0  }
0xc9: {  	[sflag:s8] =	ssyncadd.s32 $0xFFFFFF80  }
0xca: {  	[tilespmem:s13], [sflag:$0x1] =	stream.indirect.gather [hbm4b:s2+s6], $0x1, s12, s6, $0xb8;
	[tilespmem:$0x600] =	vst v63  }
0xcb: {  	_ =	swait.ge [sflag:s8], $0x80  }
0xcc: {  	[sflag:s8] =	ssyncset.done $0x0  }
0xcd: {  	[sflag:s8] =	ssyncadd.s32 $0xFFFFFF80  }
0xce: {  	[tilespmem:s14], [sflag:$0x1] =	stream.indirect.gather [hbm4b:s2+s6], $0x1, s10, s6, $0xb8;
	[tilespmem:$0x600] =	vst v63  }
0xcf: {  	_ =	swait.ge [sflag:s8], $0x80  }
0xd0: {  	[sflag:s8] =	ssyncset.done $0x0  }
0xd1: {  	[sflag:s8] =	ssyncadd.s32 $0xFFFFFF80  }
0xd2: {  	[tilespmem:s15], [sflag:$0x1] =	stream.indirect.gather [hbm4b:s2+s6], $0x1, s11, s6, $0xb8;
	[tilespmem:$0x600] =	vst v63  }
0xd3: {  	_ =	swait.ge [sflag:s8], $0x80  }
0xd4: {  	[sflag:s8] =	ssyncset.done $0x0  }
0xd5: {  	[sflag:s8] =	ssyncadd.s32 $0xFFFFFF80  }
0xd6: {  	[hbm4b:s4+s3] =	stream.linear.scatter [tilespmem:s7], [sflag:$0x2], $0x200, $0x38;
	[tilespmem:$0x600] =	vst v63  }
0xd7: {  	_ =	swait.ge [sflag:s5], $0x200  }
0xd8: {  	[sflag:s5] =	ssyncset.done $0x0  }
0xd9: {  	[sflag:s5] =	ssyncadd.s32 $0xFFFFFE00  }
0xda: {  	_ =	sfence.sel $0x180000  }
0xdb: {  	[bflag:$0x0] =	sbarrier.arrive $0xFFFF  }
0xdc: {  	p0 =	sne.s32 s1, $0x0;
	_ =	strace $0x90000047  }
0xdd: {  	s0 =	sadd.s32 @!p0 $0x100000, s0;
	[bflag:$0x2] =	sbarrier.arrive $0xFFFF  }
0xde: {  	[sflag:s0] =	ssyncadd.tile.s32 @!p0 $0x1;
	_ =	shalt  }
.Lfunc_end2:
_tile_overlayer_lowered:
.L_overlay_start_2:
0xdf: {  	(tag) =	ssettag $0x2  }
0xe0: {  	s0 =	rddreg [dreg:$0x0];
	s2 =	stileid.u32  }
0xe1: {  	s1 =	rddreg [dreg:$0x1];
	p0 =	sne.s32 s2, $0x0  }
0xe2: {  	s3 =	rddreg [dreg:$0x2];
	[bflag:$0x3] =	sbarrier.arrive $0xFFFF;
	s2 =	simm.s32 @!p0 $0x1C02  }
0xe3: {  	[timem:s3], [sflag:s2] =	dma.local @!p0 [hbm:s0], s1  }
0xe4: {  	s0 =	simm.s32 @!p0 $0x2  }
0xe5: {  	_ =	swait.ge @!p0 [sflag:s0], s1  }
0xe6: {  	s1 =	ssub.s32 @!p0 $0x0, s1;
	[sflag:s0] =	ssyncset.done @!p0 $0x0  }
0xe7: {  	[sflag:s0] =	ssyncadd.s32 @!p0 s1  }
0xe8: {  	[bflag:$0x3] =	sbarrier.arrive $0xFFFF  }
0xe9: {  	_ =	shalt  }

</sc_bundles>
